<compile_context>
chip_gen: v7x
topology: tpu7x:2x2x1
jax: 0.10.2.dev20260603
libtpu: 0.0.44.dev20260713+nightly
codegen_flags: <defaults>
</compile_context>

<pallas_src>
import dataclasses
import functools

import jax
import jax.numpy as jnp
from jax import lax
from jax.experimental import pallas as pl
from jax.experimental.pallas import tpu as pltpu
from jax.experimental.pallas import tpu_sc as plsc

_N = 10000
_E = 320000
_D_IN = 128
_HEADS = 8
_HID = 8
_D_OUT = 64
_F = _HEADS * _HID
_ROW = 128
_AS_OFF = 64
_AD_OFF = 80
_PAY = 80

_NC = 2
_NS = 16
_NW = _NC * _NS
_B = 128
_NBLK = _E // _B
_BLK_PER_TILE = -(-_NBLK // _NW)
_RPT = (_N // _NS) & ~7
_RTAIL = _N - _RPT * _NS


def _edge_pass(layer1: bool):
    mesh = plsc.VectorSubcoreMesh(core_axis_name="c", subcore_axis_name="s")
    cp = pltpu.CompilerParams()
    if "needs_layout_passes" in pltpu.CompilerParams.__dataclass_fields__:
        cp = dataclasses.replace(cp, needs_layout_passes=False)

    @functools.partial(
        pl.kernel,
        mesh=mesh,
        compiler_params=cp,
        out_type=jax.ShapeDtypeStruct((_NC, _N, _PAY), jnp.float32),
        scratch_types=[
            pltpu.VMEM((_B,), jnp.int32),
            pltpu.VMEM((_B,), jnp.int32),
            pltpu.VMEM((_B, _ROW), jnp.float32),
            pltpu.VMEM((_B, _ROW), jnp.float32),
            pltpu.VMEM((_B, _PAY), jnp.float32),
            pltpu.VMEM_SHARED((_N, _PAY), jnp.float32),
            pltpu.SemaphoreType.DMA,
            pltpu.SemaphoreType.DMA,
        ],
    )
    def kernel(tab_hbm, src_hbm, dst_hbm, zero_hbm, out_hbm,
               src_v, dst_v, rs_v, rd_v, pay_v, acc_sh, sem_a, sem_b):
        cid = lax.axis_index("c")
        sid = lax.axis_index("s")
        wid = sid * _NC + cid

        row0 = pl.multiple_of(sid * _RPT, 8)
        pltpu.sync_copy(zero_hbm.at[pl.ds(row0, _RPT)],
                        acc_sh.at[pl.ds(row0, _RPT)])

        @pl.when(sid == 0)
        def _():
            pltpu.sync_copy(zero_hbm.at[pl.ds(_RPT * _NS, _RTAIL)],
                            acc_sh.at[pl.ds(_RPT * _NS, _RTAIL)])

        plsc.subcore_barrier()

        lanes = lax.iota(jnp.int32, 16)
        hi8 = (lanes >= 8).astype(jnp.int32)

        @pl.loop(0, _BLK_PER_TILE)
        def do_block(blk):
            blkid = blk * _NW + wid

            @pl.when(blkid < _NBLK)
            def _():
                off = pl.multiple_of(blkid * _B, 8)
                pltpu.sync_copy(src_hbm.at[pl.ds(off, _B)], src_v)
                pltpu.sync_copy(dst_hbm.at[pl.ds(off, _B)], dst_v)
                cp_a = pltpu.async_copy(tab_hbm.at[src_v], rs_v, sem_a)
                cp_b = pltpu.async_copy(tab_hbm.at[dst_v], rd_v, sem_b)
                cp_a.wait()
                cp_b.wait()

                @plsc.parallel_loop(0, _B, unroll=8)
                def per_edge(e):
                    a_sum = (rs_v[e, pl.ds(_AS_OFF, 16)]
                             + rd_v[e, pl.ds(_AD_OFF, 16)])
                    a_act = jnp.maximum(a_sum, 0.2 * a_sum)
                    ex = jnp.exp(a_act)
                    pay_v[e, pl.ds(_F, 16)] = ex
                    if layer1:
                        evec = jnp.full((16,), e, dtype=jnp.int32)
                        for j in range(4):
                            idx = hi8 + (_F + 2 * j)
                            bj = plsc.load_gather(pay_v, [evec, idx])
                            pay_v[e, pl.ds(16 * j, 16)] = (
                                rs_v[e, pl.ds(16 * j, 16)] * bj)
                    else:
                        for j in range(4):
                            pay_v[e, pl.ds(16 * j, 16)] = (
                                rs_v[e, pl.ds(16 * j, 16)] * ex)

                pltpu.sync_copy(pay_v, acc_sh.at[dst_v], add=True)

        plsc.subcore_barrier()
        pltpu.sync_copy(acc_sh.at[pl.ds(row0, _RPT)],
                        out_hbm.at[cid].at[pl.ds(row0, _RPT)])

        @pl.when(sid == 0)
        def _():
            pltpu.sync_copy(acc_sh.at[pl.ds(_RPT * _NS, _RTAIL)],
                            out_hbm.at[cid].at[pl.ds(_RPT * _NS, _RTAIL)])

    return kernel


_edge_pass_l1 = _edge_pass(True)
_edge_pass_l2 = _edge_pass(False)


def _tc_prep1_body(x_ref, w_ref, p_ref, tab_ref):
    h = jnp.dot(x_ref[...], w_ref[...], preferred_element_type=jnp.float32)
    tab_ref[...] = jnp.dot(h, p_ref[...], preferred_element_type=jnp.float32)


def _tc_mid_body(p_ref, b1_ref, w2_ref, p2_ref, b8_ref, tab_ref):
    acc = p_ref[0] + p_ref[1]
    den = jnp.dot(acc, b8_ref[...], preferred_element_type=jnp.float32)
    out1 = acc[:, 0:_F] / (den + 1e-16) + b1_ref[...]
    x2 = jnp.where(out1 > 0, out1, jnp.exp(jnp.minimum(out1, 0.0)) - 1.0)
    h2 = jnp.dot(x2, w2_ref[...], preferred_element_type=jnp.float32)
    tab_ref[...] = jnp.dot(h2, p2_ref[...], preferred_element_type=jnp.float32)


def _tc_final_body(p_ref, b2_ref, o_ref):
    acc = p_ref[0] + p_ref[1]
    out = acc[:, 0:_F] / (acc[:, _F:_F + 1] + 1e-16) + b2_ref[...]
    m = jnp.max(out, axis=1, keepdims=True)
    z = out - m
    lse = jnp.log(jnp.sum(jnp.exp(z), axis=1, keepdims=True))
    o_ref[...] = z - lse


_BN = 1000


def kernel(x, edge_index, W1, att_src1, att_dst1, b1, W2, att_src2,
           att_dst2, b2):
    f32 = jnp.float32
    src = edge_index[0]
    dst = edge_index[1]
    zeros = jnp.zeros((_N, _PAY), f32)

    eye64 = jnp.eye(_F, dtype=f32)
    a_src = (att_src1[:, :, None] * jnp.eye(_HEADS, dtype=f32)[:, None, :]
             ).reshape(_F, _HEADS)
    a_dst = (att_dst1[:, :, None] * jnp.eye(_HEADS, dtype=f32)[:, None, :]
             ).reshape(_F, _HEADS)
    pad8 = jnp.zeros((_F, 8), f32)
    pad32 = jnp.zeros((_F, 32), f32)
    P1 = jnp.concatenate([eye64, a_src, pad8, a_dst, pad8, pad32], axis=1)
    P2 = jnp.concatenate([eye64, jnp.tile(att_src2.T, (1, 16)),
                          jnp.tile(att_dst2.T, (1, 16)), pad32], axis=1)
    blk8 = jnp.repeat(jnp.eye(_HEADS, dtype=f32), _HID, axis=1)
    B8 = jnp.concatenate([jnp.zeros((_F, _F), f32), blk8,
                          jnp.zeros((8, _F), f32)], axis=0)

    grid = (_N // _BN,)
    full = lambda shape: pl.BlockSpec(shape, lambda i: tuple(0 for _ in shape))
    rows = lambda w: pl.BlockSpec((_BN, w), lambda i: (i, 0))
    part = pl.BlockSpec((_NC, _BN, _PAY), lambda i: (0, i, 0))

    tab1 = pl.pallas_call(
        _tc_prep1_body,
        grid=grid,
        in_specs=[rows(_D_IN), full((_D_IN, _F)), full((_F, _ROW))],
        out_specs=rows(_ROW),
        out_shape=jax.ShapeDtypeStruct((_N, _ROW), f32),
    )(x, W1, P1)

    part1 = _edge_pass_l1(tab1, src, dst, zeros)

    tab2 = pl.pallas_call(
        _tc_mid_body,
        grid=grid,
        in_specs=[part, full((1, _F)), full((_F, _F)), full((_F, _ROW)),
                  full((_PAY, _F))],
        out_specs=rows(_ROW),
        out_shape=jax.ShapeDtypeStruct((_N, _ROW), f32),
    )(part1, b1.reshape(1, _F), W2, P2, B8)

    part2 = _edge_pass_l2(tab2, src, dst, zeros)

    out = pl.pallas_call(
        _tc_final_body,
        grid=grid,
        in_specs=[part, full((1, _F))],
        out_specs=rows(_F),
        out_shape=jax.ShapeDtypeStruct((_N, _D_OUT), f32),
    )(part2, b2.reshape(1, _F))

    return out

# --- scband reference (transcript-rebuilt; emitter-appended) ---
"""Pipeline reference for scband-gat-29618094473881 (READ-ONLY COPY).

The authoritative reference and input builder live on the scoring server;
editing this copy changes nothing except your own understanding.
"""

import jax, jax.numpy as jnp
import numpy as np

N = 10000
E = 320000
D_IN = 128
HEADS = 8
HID = 8
D_OUT = 64


def setup_inputs(seed: int = 0) -> dict:
    key = jax.random.key(seed)
    ks = jax.random.split(key, 12)
    x = jax.random.normal(ks[0], (N, D_IN), dtype=jnp.float32)
    edge_index = jax.random.randint(ks[1], (2, E), 0, N, dtype=jnp.int32)
    # layer 1 params: in=128 -> heads=8, hid=8 (concat -> 64)
    W1 = 0.1 * jax.random.normal(ks[2], (D_IN, HEADS * HID), dtype=jnp.float32)
    att_src1 = 0.1 * jax.random.normal(ks[3], (HEADS, HID), dtype=jnp.float32)
    att_dst1 = 0.1 * jax.random.normal(ks[4], (HEADS, HID), dtype=jnp.float32)
    b1 = jnp.zeros((HEADS * HID,), dtype=jnp.float32)
    # layer 2 params: in=64 -> heads=1, out=64 (no concat, mean)
    W2 = 0.1 * jax.random.normal(ks[5], (HEADS * HID, 1 * D_OUT), dtype=jnp.float32)
    att_src2 = 0.1 * jax.random.normal(ks[6], (1, D_OUT), dtype=jnp.float32)
    att_dst2 = 0.1 * jax.random.normal(ks[7], (1, D_OUT), dtype=jnp.float32)
    b2 = jnp.zeros((D_OUT,), dtype=jnp.float32)
    return {"x": x, "edge_index": edge_index, "W1": W1, "att_src1": att_src1,
            "att_dst1": att_dst1, "b1": b1, "W2": W2, "att_src2": att_src2,
            "att_dst2": att_dst2, "b2": b2}


def _gat_conv(x, src, dst, W, att_src, att_dst, b, heads, out_ch, concat):
    n = x.shape[0]
    h = (x @ W).reshape(n, heads, out_ch)
    a_s = jnp.sum(h * att_src[None, :, :], axis=-1)  # [N, heads]
    a_d = jnp.sum(h * att_dst[None, :, :], axis=-1)  # [N, heads]
    e = a_s[src] + a_d[dst]                          # [E, heads]
    e = jax.nn.leaky_relu(e, negative_slope=0.2)
    m = jax.ops.segment_max(e, dst, num_segments=n)
    m = jnp.where(jnp.isfinite(m), m, 0.0)
    ex = jnp.exp(e - m[dst])
    s = jax.ops.segment_sum(ex, dst, num_segments=n)
    alpha = ex / (s[dst] + 1e-16)                    # [E, heads]
    msg = h[src] * alpha[:, :, None]                 # [E, heads, out_ch]
    out = jax.ops.segment_sum(msg, dst, num_segments=n)
    if concat:
        out = out.reshape(n, heads * out_ch)
    else:
        out = out.mean(axis=1)
    return out + b


def reference(x, edge_index, W1, att_src1, att_dst1, b1, W2, att_src2, att_dst2, b2):
    src = edge_index[0]
    dst = edge_index[1]
    h = _gat_conv(x, src, dst, W1, att_src1, att_dst1, b1, HEADS, HID, True)
    h = jax.nn.elu(h)
    # dropout treated as identity (deterministic / eval semantics)
    h = _gat_conv(h, src, dst, W2, att_src2, att_dst2, b2, 1, D_OUT, False)
    return jax.nn.log_softmax(h, axis=1)

if __name__ == "__main__":
    import jax
    _d = setup_inputs()
    print(jax.jit(kernel)(*tuple(_d.values())))

</pallas_src>

<mosaic_0001>
#map = affine_map<(d0, d1) -> (0, 0)>
#map1 = affine_map<(d0, d1) -> (0)>
#map2 = affine_map<(d0, d1) -> (0, 0, 0)>
module attributes {stable_mosaic.version = 14 : i64} {
  func.func @kernel(%arg0: i32, %arg1: i32, %arg2: memref<10000x128xf32, #tpu.memory_space<hbm>>, %arg3: memref<320000xi32, #tpu.memory_space<hbm>>, %arg4: memref<320000xi32, #tpu.memory_space<hbm>>, %arg5: memref<10000x80xf32, #tpu.memory_space<hbm>>, %arg6: memref<2x10000x80xf32, #tpu.memory_space<hbm>>, %arg7: memref<128xi32, #tpu.memory_space<vmem>>, %arg8: memref<128xi32, #tpu.memory_space<vmem>>, %arg9: memref<128x128xf32, #tpu.memory_space<vmem>>, %arg10: memref<128x128xf32, #tpu.memory_space<vmem>>, %arg11: memref<128x80xf32, #tpu.memory_space<vmem>>, %arg12: memref<10000x80xf32, #tpu.memory_space<vmem_shared>>, %arg13: memref<!tpu.dma_semaphore, #tpu.memory_space<semaphore_mem>>, %arg14: memref<!tpu.dma_semaphore, #tpu.memory_space<semaphore_mem>>) attributes {dimension_semantics = [#tpu.dimension_semantics<core_parallel>, #tpu.dimension_semantics<subcore_parallel>], iteration_bounds = array<i64: 2, 16>, scalar_prefetch = 0 : i64, scratch_operands = 8 : i64, tpu.core_type = #tpu.core_type<sc_vector_subcore>, window_params = [{transform_indices = #map}, {transform_indices = #map1}, {transform_indices = #map1}, {transform_indices = #map}, {transform_indices = #map2}]} {
    %mul3A = arith.constant 2 : i32
    %mul3A_0 = arith.muli %arg1, %mul3A : i32
    %add3A = arith.addi %mul3A_0, %arg0 : i32
    %mul3A_1 = arith.constant 624 : i32
    %mul3A_2 = arith.muli %arg1, %mul3A_1 : i32
    %multiple_of3A = tpu.assume_multiple %mul3A_2, 8 : i32
    "tpu.region"() ({
      %run_scoped3A = tpu.sem_alloc : memref<!tpu.dma_semaphore, #tpu.memory_space<semaphore_mem>>
      %dma_start3A = arith.constant 0 : i32
      %dma_start3A_18 = tpu.memref_slice %arg12[%multiple_of3A, %dma_start3A] : memref<10000x80xf32, #tpu.memory_space<vmem_shared>> -> memref<624x80xf32, #tpu.memory_space<vmem_shared>>
      %dma_start3A_19 = arith.constant 0 : i32
      %dma_start3A_20 = tpu.memref_slice %arg5[%multiple_of3A, %dma_start3A_19] : memref<10000x80xf32, #tpu.memory_space<hbm>> -> memref<624x80xf32, #tpu.memory_space<hbm>>
      tpu.enqueue_dma source(%dma_start3A_20 : memref<624x80xf32, #tpu.memory_space<hbm>>) target(%dma_start3A_18 : memref<624x80xf32, #tpu.memory_space<vmem_shared>>) target_semaphore(%run_scoped3A : memref<!tpu.dma_semaphore, #tpu.memory_space<semaphore_mem>>)
      %dma_wait3A = arith.constant 0 : i32
      %dma_wait3A_21 = tpu.memref_slice %arg12[%multiple_of3A, %dma_wait3A] : memref<10000x80xf32, #tpu.memory_space<vmem_shared>> -> memref<624x80xf32, #tpu.memory_space<vmem_shared>>
      %dma_wait3A_22 = arith.constant 0 : i32
      %dma_wait3A_23 = tpu.memref_slice %arg5[%multiple_of3A, %dma_wait3A_22] : memref<10000x80xf32, #tpu.memory_space<hbm>> -> memref<624x80xf32, #tpu.memory_space<hbm>>
      tpu.wait_dma2 semaphore(%run_scoped3A : memref<!tpu.dma_semaphore, #tpu.memory_space<semaphore_mem>>) src(%dma_wait3A_23 : memref<624x80xf32, #tpu.memory_space<hbm>>) dst(%dma_wait3A_21 : memref<624x80xf32, #tpu.memory_space<vmem_shared>>)
      tpu.yield
    }) : () -> ()
    %eq3A = arith.constant 0 : i32
    %eq3A_3 = arith.cmpi eq, %arg1, %eq3A : i32
    %convert_element_type3A = arith.extui %eq3A_3 : i1 to i32
    %cond3A = arith.constant 0 : i32
    %cond3A_4 = arith.cmpi ne, %convert_element_type3A, %cond3A : i32
    scf.if %cond3A_4 {
      "tpu.region"() ({
        %run_scoped3A = tpu.sem_alloc : memref<!tpu.dma_semaphore, #tpu.memory_space<semaphore_mem>>
        %dma_start3A = arith.constant 9984 : i32
        %dma_start3A_18 = arith.constant 0 : i32
        %dma_start3A_19 = tpu.memref_slice %arg12[%dma_start3A, %dma_start3A_18] : memref<10000x80xf32, #tpu.memory_space<vmem_shared>> -> memref<16x80xf32, #tpu.memory_space<vmem_shared>>
        %dma_start3A_20 = arith.constant 9984 : i32
        %dma_start3A_21 = arith.constant 0 : i32
        %dma_start3A_22 = tpu.memref_slice %arg5[%dma_start3A_20, %dma_start3A_21] : memref<10000x80xf32, #tpu.memory_space<hbm>> -> memref<16x80xf32, #tpu.memory_space<hbm>>
        tpu.enqueue_dma source(%dma_start3A_22 : memref<16x80xf32, #tpu.memory_space<hbm>>) target(%dma_start3A_19 : memref<16x80xf32, #tpu.memory_space<vmem_shared>>) target_semaphore(%run_scoped3A : memref<!tpu.dma_semaphore, #tpu.memory_space<semaphore_mem>>)
        %dma_wait3A = arith.constant 9984 : i32
        %dma_wait3A_23 = arith.constant 0 : i32
        %dma_wait3A_24 = tpu.memref_slice %arg12[%dma_wait3A, %dma_wait3A_23] : memref<10000x80xf32, #tpu.memory_space<vmem_shared>> -> memref<16x80xf32, #tpu.memory_space<vmem_shared>>
        %dma_wait3A_25 = arith.constant 9984 : i32
        %dma_wait3A_26 = arith.constant 0 : i32
        %dma_wait3A_27 = tpu.memref_slice %arg5[%dma_wait3A_25, %dma_wait3A_26] : memref<10000x80xf32, #tpu.memory_space<hbm>> -> memref<16x80xf32, #tpu.memory_space<hbm>>
        tpu.wait_dma2 semaphore(%run_scoped3A : memref<!tpu.dma_semaphore, #tpu.memory_space<semaphore_mem>>) src(%dma_wait3A_27 : memref<16x80xf32, #tpu.memory_space<hbm>>) dst(%dma_wait3A_24 : memref<16x80xf32, #tpu.memory_space<vmem_shared>>)
        tpu.yield
      }) : () -> ()
    } else {
    }
    %barrier3A = arith.constant 0 : index
    tpu.barrier barrier_id(%barrier3A)
    %iota3A = tpu.iota {dimensions = array<i32: 0>} : vector<16xi32>
    %ge3A = arith.constant 8 : i32
    %ge3A_5 = vector.broadcast %ge3A : i32 to vector<16xi32>
    %ge3A_6 = arith.cmpi sge, %iota3A, %ge3A_5 : vector<16xi32>
    %convert_element_type3A_7 = arith.extui %ge3A_6 : vector<16xi1> to vector<16xi32>
    %scan3A = arith.constant 0 : i32
    %scan3A_8 = arith.constant 79 : i32
    %scan3A_9 = arith.addi %scan3A, %scan3A_8 : i32
    %scan3A_10 = arith.constant 1 : i32
    scf.for %scan3A_18 = %scan3A to %scan3A_9 step %scan3A_10  : i32 {
      %mul3A_19 = arith.constant 1 : i32
      %mul3A_20 = arith.muli %scan3A_18, %mul3A_19 : i32
      %add3A_21 = arith.constant 0 : i32
      %add3A_22 = arith.addi %add3A_21, %mul3A_20 : i32
      %mul3A_23 = arith.constant 32 : i32
      %mul3A_24 = arith.muli %add3A_22, %mul3A_23 : i32
      %add3A_25 = arith.addi %mul3A_24, %add3A : i32
      %lt3A = arith.constant 2500 : i32
      %lt3A_26 = arith.cmpi slt, %add3A_25, %lt3A : i32
      %convert_element_type3A_27 = arith.extui %lt3A_26 : i1 to i32
      %cond3A_28 = arith.constant 0 : i32
      %cond3A_29 = arith.cmpi ne, %convert_element_type3A_27, %cond3A_28 : i32
      scf.if %cond3A_29 {
        %mul3A_30 = arith.constant 128 : i32
        %mul3A_31 = arith.muli %add3A_25, %mul3A_30 : i32
        %multiple_of3A_32 = tpu.assume_multiple %mul3A_31, 8 : i32
        "tpu.region"() ({
          %run_scoped3A = tpu.sem_alloc : memref<!tpu.dma_semaphore, #tpu.memory_space<semaphore_mem>>
          %dma_start3A_45 = tpu.memref_slice %arg3[%multiple_of3A_32] : memref<320000xi32, #tpu.memory_space<hbm>> -> memref<128xi32, #tpu.memory_space<hbm>>
          %dma_start3A_46 = tpu.memref_slice %arg3[%multiple_of3A_32] : memref<320000xi32, #tpu.memory_space<hbm>> -> memref<128xi32, #tpu.memory_space<hbm>>
          tpu.enqueue_dma source(%dma_start3A_46 : memref<128xi32, #tpu.memory_space<hbm>>) target(%arg7 : memref<128xi32, #tpu.memory_space<vmem>>) target_semaphore(%run_scoped3A : memref<!tpu.dma_semaphore, #tpu.memory_space<semaphore_mem>>)
          %dma_wait3A_47 = tpu.memref_slice %arg3[%multiple_of3A_32] : memref<320000xi32, #tpu.memory_space<hbm>> -> memref<128xi32, #tpu.memory_space<hbm>>
          %dma_wait3A_48 = tpu.memref_slice %arg3[%multiple_of3A_32] : memref<320000xi32, #tpu.memory_space<hbm>> -> memref<128xi32, #tpu.memory_space<hbm>>
          tpu.wait_dma2 semaphore(%run_scoped3A : memref<!tpu.dma_semaphore, #tpu.memory_space<semaphore_mem>>) src(%dma_wait3A_48 : memref<128xi32, #tpu.memory_space<hbm>>) dst(%arg7 : memref<128xi32, #tpu.memory_space<vmem>>)
          tpu.yield
        }) : () -> ()
        "tpu.region"() ({
          %run_scoped3A = tpu.sem_alloc : memref<!tpu.dma_semaphore, #tpu.memory_space<semaphore_mem>>
          %dma_start3A_45 = tpu.memref_slice %arg4[%multiple_of3A_32] : memref<320000xi32, #tpu.memory_space<hbm>> -> memref<128xi32, #tpu.memory_space<hbm>>
          %dma_start3A_46 = tpu.memref_slice %arg4[%multiple_of3A_32] : memref<320000xi32, #tpu.memory_space<hbm>> -> memref<128xi32, #tpu.memory_space<hbm>>
          tpu.enqueue_dma source(%dma_start3A_46 : memref<128xi32, #tpu.memory_space<hbm>>) target(%arg8 : memref<128xi32, #tpu.memory_space<vmem>>) target_semaphore(%run_scoped3A : memref<!tpu.dma_semaphore, #tpu.memory_space<semaphore_mem>>)
          %dma_wait3A_47 = tpu.memref_slice %arg4[%multiple_of3A_32] : memref<320000xi32, #tpu.memory_space<hbm>> -> memref<128xi32, #tpu.memory_space<hbm>>
          %dma_wait3A_48 = tpu.memref_slice %arg4[%multiple_of3A_32] : memref<320000xi32, #tpu.memory_space<hbm>> -> memref<128xi32, #tpu.memory_space<hbm>>
          tpu.wait_dma2 semaphore(%run_scoped3A : memref<!tpu.dma_semaphore, #tpu.memory_space<semaphore_mem>>) src(%dma_wait3A_48 : memref<128xi32, #tpu.memory_space<hbm>>) dst(%arg8 : memref<128xi32, #tpu.memory_space<vmem>>)
          tpu.yield
        }) : () -> ()
        %dma_start3A = arith.constant 0 : i32
        %dma_start3A_33 = arith.constant 0 : i32
        %dma_start3A_34 = tpu.memref_slice %arg2[%dma_start3A, %dma_start3A_33] : memref<10000x128xf32, #tpu.memory_space<hbm>> -> memref<10000x128xf32, #tpu.memory_space<hbm>>
        tpu.enqueue_indirect_dma source(%dma_start3A_34 : memref<10000x128xf32, #tpu.memory_space<hbm>>) target(%arg9 : memref<128x128xf32, #tpu.memory_space<vmem>>) offsets(%arg7 : memref<128xi32, #tpu.memory_space<vmem>>) semaphore(%arg13 : memref<!tpu.dma_semaphore, #tpu.memory_space<semaphore_mem>>)
        %dma_start3A_35 = arith.constant 0 : i32
        %dma_start3A_36 = arith.constant 0 : i32
        %dma_start3A_37 = tpu.memref_slice %arg2[%dma_start3A_35, %dma_start3A_36] : memref<10000x128xf32, #tpu.memory_space<hbm>> -> memref<10000x128xf32, #tpu.memory_space<hbm>>
        tpu.enqueue_indirect_dma source(%dma_start3A_37 : memref<10000x128xf32, #tpu.memory_space<hbm>>) target(%arg10 : memref<128x128xf32, #tpu.memory_space<vmem>>) offsets(%arg8 : memref<128xi32, #tpu.memory_space<vmem>>) semaphore(%arg14 : memref<!tpu.dma_semaphore, #tpu.memory_space<semaphore_mem>>)
        %dma_wait3A = arith.constant 0 : i32
        %dma_wait3A_38 = arith.constant 0 : i32
        %dma_wait3A_39 = tpu.memref_slice %arg2[%dma_wait3A, %dma_wait3A_38] : memref<10000x128xf32, #tpu.memory_space<hbm>> -> memref<10000x128xf32, #tpu.memory_space<hbm>>
        tpu.wait_indirect_dma semaphore(%arg13 : memref<!tpu.dma_semaphore, #tpu.memory_space<semaphore_mem>>) src(%dma_wait3A_39 : memref<10000x128xf32, #tpu.memory_space<hbm>>) dst(%arg9 : memref<128x128xf32, #tpu.memory_space<vmem>>)
        %dma_wait3A_40 = arith.constant 0 : i32
        %dma_wait3A_41 = arith.constant 0 : i32
        %dma_wait3A_42 = tpu.memref_slice %arg2[%dma_wait3A_40, %dma_wait3A_41] : memref<10000x128xf32, #tpu.memory_space<hbm>> -> memref<10000x128xf32, #tpu.memory_space<hbm>>
        tpu.wait_indirect_dma semaphore(%arg14 : memref<!tpu.dma_semaphore, #tpu.memory_space<semaphore_mem>>) src(%dma_wait3A_42 : memref<10000x128xf32, #tpu.memory_space<hbm>>) dst(%arg10 : memref<128x128xf32, #tpu.memory_space<vmem>>)
        %parallel_loop3A = arith.constant 0 : i32
        %parallel_loop3A_43 = arith.constant 128 : i32
        %parallel_loop3A_44 = arith.constant 1 : i32
        scf.for %parallel_loop3A_45 = %parallel_loop3A to %parallel_loop3A_43 step %parallel_loop3A_44  : i32 {
          %parallel_loop3A_46 = arith.index_cast %parallel_loop3A_45 : i32 to index
          %parallel_loop3A_47 = arith.constant 64 : index
          %parallel_loop3A_48 = tpu.vector_load %arg9[%parallel_loop3A_46, %parallel_loop3A_47] {strides = array<i32>} : memref<128x128xf32, #tpu.memory_space<vmem>>, vector<16xf32>,
          %parallel_loop3A_49 = arith.index_cast %parallel_loop3A_45 : i32 to index
          %parallel_loop3A_50 = arith.constant 80 : index
          %parallel_loop3A_51 = tpu.vector_load %arg10[%parallel_loop3A_49, %parallel_loop3A_50] {strides = array<i32>} : memref<128x128xf32, #tpu.memory_space<vmem>>, vector<16xf32>,
          %parallel_loop3A_52 = arith.addf %parallel_loop3A_48, %parallel_loop3A_51 : vector<16xf32>
          %parallel_loop3A_53 = arith.constant 2.000000e-01 : f32
          %parallel_loop3A_54 = vector.broadcast %parallel_loop3A_53 : f32 to vector<16xf32>
          %parallel_loop3A_55 = arith.mulf %parallel_loop3A_54, %parallel_loop3A_52 : vector<16xf32>
          %parallel_loop3A_56 = arith.maximumf %parallel_loop3A_52, %parallel_loop3A_55 : vector<16xf32>
          %parallel_loop3A_57 = math.exp %parallel_loop3A_56 : vector<16xf32>
          %parallel_loop3A_58 = arith.index_cast %parallel_loop3A_45 : i32 to index
          %parallel_loop3A_59 = arith.constant 64 : index
          %parallel_loop3A_60 = tpu.vector_load %arg11[%parallel_loop3A_58, %parallel_loop3A_59] {strides = array<i32>} : memref<128x80xf32, #tpu.memory_space<vmem>>, vector<16xf32>,
          tpu.vector_store %arg11[%parallel_loop3A_58, %parallel_loop3A_59], %parallel_loop3A_57 {strides = array<i32>} : memref<128x80xf32, #tpu.memory_space<vmem>>, vector<16xf32>,
          %parallel_loop3A_61 = arith.index_cast %parallel_loop3A_45 : i32 to index
          %parallel_loop3A_62 = arith.constant 0 : index
          %parallel_loop3A_63 = tpu.vector_load %arg9[%parallel_loop3A_61, %parallel_loop3A_62] {strides = array<i32>} : memref<128x128xf32, #tpu.memory_space<vmem>>, vector<16xf32>,
          %parallel_loop3A_64 = arith.mulf %parallel_loop3A_63, %parallel_loop3A_57 : vector<16xf32>
          %parallel_loop3A_65 = arith.index_cast %parallel_loop3A_45 : i32 to index
          %parallel_loop3A_66 = arith.constant 0 : index
          %parallel_loop3A_67 = tpu.vector_load %arg11[%parallel_loop3A_65, %parallel_loop3A_66] {strides = array<i32>} : memref<128x80xf32, #tpu.memory_space<vmem>>, vector<16xf32>,
          tpu.vector_store %arg11[%parallel_loop3A_65, %parallel_loop3A_66], %parallel_loop3A_64 {strides = array<i32>} : memref<128x80xf32, #tpu.memory_space<vmem>>, vector<16xf32>,
          %parallel_loop3A_68 = arith.index_cast %parallel_loop3A_45 : i32 to index
          %parallel_loop3A_69 = arith.constant 16 : index
          %parallel_loop3A_70 = tpu.vector_load %arg9[%parallel_loop3A_68, %parallel_loop3A_69] {strides = array<i32>} : memref<128x128xf32, #tpu.memory_space<vmem>>, vector<16xf32>,
          %parallel_loop3A_71 = arith.mulf %parallel_loop3A_70, %parallel_loop3A_57 : vector<16xf32>
          %parallel_loop3A_72 = arith.index_cast %parallel_loop3A_45 : i32 to index
          %parallel_loop3A_73 = arith.constant 16 : index
          %parallel_loop3A_74 = tpu.vector_load %arg11[%parallel_loop3A_72, %parallel_loop3A_73] {strides = array<i32>} : memref<128x80xf32, #tpu.memory_space<vmem>>, vector<16xf32>,
          tpu.vector_store %arg11[%parallel_loop3A_72, %parallel_loop3A_73], %parallel_loop3A_71 {strides = array<i32>} : memref<128x80xf32, #tpu.memory_space<vmem>>, vector<16xf32>,
          %parallel_loop3A_75 = arith.index_cast %parallel_loop3A_45 : i32 to index
          %parallel_loop3A_76 = arith.constant 32 : index
          %parallel_loop3A_77 = tpu.vector_load %arg9[%parallel_loop3A_75, %parallel_loop3A_76] {strides = array<i32>} : memref<128x128xf32, #tpu.memory_space<vmem>>, vector<16xf32>,
          %parallel_loop3A_78 = arith.mulf %parallel_loop3A_77, %parallel_loop3A_57 : vector<16xf32>
          %parallel_loop3A_79 = arith.index_cast %parallel_loop3A_45 : i32 to index
          %parallel_loop3A_80 = arith.constant 32 : index
          %parallel_loop3A_81 = tpu.vector_load %arg11[%parallel_loop3A_79, %parallel_loop3A_80] {strides = array<i32>} : memref<128x80xf32, #tpu.memory_space<vmem>>, vector<16xf32>,
          tpu.vector_store %arg11[%parallel_loop3A_79, %parallel_loop3A_80], %parallel_loop3A_78 {strides = array<i32>} : memref<128x80xf32, #tpu.memory_space<vmem>>, vector<16xf32>,
          %parallel_loop3A_82 = arith.index_cast %parallel_loop3A_45 : i32 to index
          %parallel_loop3A_83 = arith.constant 48 : index
          %parallel_loop3A_84 = tpu.vector_load %arg9[%parallel_loop3A_82, %parallel_loop3A_83] {strides = array<i32>} : memref<128x128xf32, #tpu.memory_space<vmem>>, vector<16xf32>,
          %parallel_loop3A_85 = arith.mulf %parallel_loop3A_84, %parallel_loop3A_57 : vector<16xf32>
          %parallel_loop3A_86 = arith.index_cast %parallel_loop3A_45 : i32 to index
          %parallel_loop3A_87 = arith.constant 48 : index
          %parallel_loop3A_88 = tpu.vector_load %arg11[%parallel_loop3A_86, %parallel_loop3A_87] {strides = array<i32>} : memref<128x80xf32, #tpu.memory_space<vmem>>, vector<16xf32>,
          tpu.vector_store %arg11[%parallel_loop3A_86, %parallel_loop3A_87], %parallel_loop3A_85 {strides = array<i32>} : memref<128x80xf32, #tpu.memory_space<vmem>>, vector<16xf32>,
        } {sc.loop_unroll_factor = 8 : i64, sc.parallel_access}
        "tpu.region"() ({
          %run_scoped3A = tpu.sem_alloc : memref<!tpu.dma_semaphore, #tpu.memory_space<semaphore_mem>>
          %dma_start3A_45 = arith.constant 0 : i32
          %dma_start3A_46 = arith.constant 0 : i32
          %dma_start3A_47 = tpu.memref_slice %arg12[%dma_start3A_45, %dma_start3A_46] : memref<10000x80xf32, #tpu.memory_space<vmem_shared>> -> memref<10000x80xf32, #tpu.memory_space<vmem_shared>>
          tpu.enqueue_indirect_dma source(%arg11 : memref<128x80xf32, #tpu.memory_space<vmem>>) target(%dma_start3A_47 : memref<10000x80xf32, #tpu.memory_space<vmem_shared>>) offsets(%arg8 : memref<128xi32, #tpu.memory_space<vmem>>) semaphore(%run_scoped3A : memref<!tpu.dma_semaphore, #tpu.memory_space<semaphore_mem>>) {add = true}
          %dma_wait3A_48 = arith.constant 0 : i32
          %dma_wait3A_49 = arith.constant 0 : i32
          %dma_wait3A_50 = tpu.memref_slice %arg12[%dma_wait3A_48, %dma_wait3A_49] : memref<10000x80xf32, #tpu.memory_space<vmem_shared>> -> memref<10000x80xf32, #tpu.memory_space<vmem_shared>>
          tpu.wait_indirect_dma semaphore(%run_scoped3A : memref<!tpu.dma_semaphore, #tpu.memory_space<semaphore_mem>>) src(%arg11 : memref<128x80xf32, #tpu.memory_space<vmem>>) dst(%dma_wait3A_50 : memref<10000x80xf32, #tpu.memory_space<vmem_shared>>)
          tpu.yield
        }) : () -> ()
      } else {
      }
    }
    %scan3A_11 = arith.constant 79 : i32
    %barrier3A_12 = arith.constant 0 : index
    tpu.barrier barrier_id(%barrier3A_12)
    "tpu.region"() ({
      %run_scoped3A = tpu.sem_alloc : memref<!tpu.dma_semaphore, #tpu.memory_space<semaphore_mem>>
      %dma_start3A = arith.constant 0 : i32
      %dma_start3A_18 = arith.constant 0 : i32
      %dma_start3A_19 = tpu.memref_slice %arg6[%arg0, %dma_start3A, %dma_start3A_18] : memref<2x10000x80xf32, #tpu.memory_space<hbm>> -> memref<1x10000x80xf32, #tpu.memory_space<hbm>>
      %dma_start3A_20 = tpu.memref_squeeze %dma_start3A_19 : memref<1x10000x80xf32, #tpu.memory_space<hbm>> -> memref<10000x80xf32, #tpu.memory_space<hbm>>
      %dma_start3A_21 = arith.constant 0 : i32
      %dma_start3A_22 = tpu.memref_slice %dma_start3A_20[%multiple_of3A, %dma_start3A_21] : memref<10000x80xf32, #tpu.memory_space<hbm>> -> memref<624x80xf32, #tpu.memory_space<hbm>>
      %dma_start3A_23 = arith.constant 0 : i32
      %dma_start3A_24 = tpu.memref_slice %arg12[%multiple_of3A, %dma_start3A_23] : memref<10000x80xf32, #tpu.memory_space<vmem_shared>> -> memref<624x80xf32, #tpu.memory_space<vmem_shared>>
      tpu.enqueue_dma source(%dma_start3A_24 : memref<624x80xf32, #tpu.memory_space<vmem_shared>>) target(%dma_start3A_22 : memref<624x80xf32, #tpu.memory_space<hbm>>) target_semaphore(%run_scoped3A : memref<!tpu.dma_semaphore, #tpu.memory_space<semaphore_mem>>)
      %dma_wait3A = arith.constant 0 : i32
      %dma_wait3A_25 = arith.constant 0 : i32
      %dma_wait3A_26 = tpu.memref_slice %arg6[%arg0, %dma_wait3A, %dma_wait3A_25] : memref<2x10000x80xf32, #tpu.memory_space<hbm>> -> memref<1x10000x80xf32, #tpu.memory_space<hbm>>
      %dma_wait3A_27 = tpu.memref_squeeze %dma_wait3A_26 : memref<1x10000x80xf32, #tpu.memory_space<hbm>> -> memref<10000x80xf32, #tpu.memory_space<hbm>>
      %dma_wait3A_28 = arith.constant 0 : i32
      %dma_wait3A_29 = tpu.memref_slice %dma_wait3A_27[%multiple_of3A, %dma_wait3A_28] : memref<10000x80xf32, #tpu.memory_space<hbm>> -> memref<624x80xf32, #tpu.memory_space<hbm>>
      %dma_wait3A_30 = arith.constant 0 : i32
      %dma_wait3A_31 = tpu.memref_slice %arg12[%multiple_of3A, %dma_wait3A_30] : memref<10000x80xf32, #tpu.memory_space<vmem_shared>> -> memref<624x80xf32, #tpu.memory_space<vmem_shared>>
      tpu.wait_dma2 semaphore(%run_scoped3A : memref<!tpu.dma_semaphore, #tpu.memory_space<semaphore_mem>>) src(%dma_wait3A_31 : memref<624x80xf32, #tpu.memory_space<vmem_shared>>) dst(%dma_wait3A_29 : memref<624x80xf32, #tpu.memory_space<hbm>>)
      tpu.yield
    }) : () -> ()
    %eq3A_13 = arith.constant 0 : i32
    %eq3A_14 = arith.cmpi eq, %arg1, %eq3A_13 : i32
    %convert_element_type3A_15 = arith.extui %eq3A_14 : i1 to i32
    %cond3A_16 = arith.constant 0 : i32
    %cond3A_17 = arith.cmpi ne, %convert_element_type3A_15, %cond3A_16 : i32
    scf.if %cond3A_17 {
      "tpu.region"() ({
        %run_scoped3A = tpu.sem_alloc : memref<!tpu.dma_semaphore, #tpu.memory_space<semaphore_mem>>
        %dma_start3A = arith.constant 0 : i32
        %dma_start3A_18 = arith.constant 0 : i32
        %dma_start3A_19 = tpu.memref_slice %arg6[%arg0, %dma_start3A, %dma_start3A_18] : memref<2x10000x80xf32, #tpu.memory_space<hbm>> -> memref<1x10000x80xf32, #tpu.memory_space<hbm>>
        %dma_start3A_20 = tpu.memref_squeeze %dma_start3A_19 : memref<1x10000x80xf32, #tpu.memory_space<hbm>> -> memref<10000x80xf32, #tpu.memory_space<hbm>>
        %dma_start3A_21 = arith.constant 9984 : i32
        %dma_start3A_22 = arith.constant 0 : i32
        %dma_start3A_23 = tpu.memref_slice %dma_start3A_20[%dma_start3A_21, %dma_start3A_22] : memref<10000x80xf32, #tpu.memory_space<hbm>> -> memref<16x80xf32, #tpu.memory_space<hbm>>
        %dma_start3A_24 = arith.constant 9984 : i32
        %dma_start3A_25 = arith.constant 0 : i32
        %dma_start3A_26 = tpu.memref_slice %arg12[%dma_start3A_24, %dma_start3A_25] : memref<10000x80xf32, #tpu.memory_space<vmem_shared>> -> memref<16x80xf32, #tpu.memory_space<vmem_shared>>
        tpu.enqueue_dma source(%dma_start3A_26 : memref<16x80xf32, #tpu.memory_space<vmem_shared>>) target(%dma_start3A_23 : memref<16x80xf32, #tpu.memory_space<hbm>>) target_semaphore(%run_scoped3A : memref<!tpu.dma_semaphore, #tpu.memory_space<semaphore_mem>>)
        %dma_wait3A = arith.constant 0 : i32
        %dma_wait3A_27 = arith.constant 0 : i32
        %dma_wait3A_28 = tpu.memref_slice %arg6[%arg0, %dma_wait3A, %dma_wait3A_27] : memref<2x10000x80xf32, #tpu.memory_space<hbm>> -> memref<1x10000x80xf32, #tpu.memory_space<hbm>>
        %dma_wait3A_29 = tpu.memref_squeeze %dma_wait3A_28 : memref<1x10000x80xf32, #tpu.memory_space<hbm>> -> memref<10000x80xf32, #tpu.memory_space<hbm>>
        %dma_wait3A_30 = arith.constant 9984 : i32
        %dma_wait3A_31 = arith.constant 0 : i32
        %dma_wait3A_32 = tpu.memref_slice %dma_wait3A_29[%dma_wait3A_30, %dma_wait3A_31] : memref<10000x80xf32, #tpu.memory_space<hbm>> -> memref<16x80xf32, #tpu.memory_space<hbm>>
        %dma_wait3A_33 = arith.constant 9984 : i32
        %dma_wait3A_34 = arith.constant 0 : i32
        %dma_wait3A_35 = tpu.memref_slice %arg12[%dma_wait3A_33, %dma_wait3A_34] : memref<10000x80xf32, #tpu.memory_space<vmem_shared>> -> memref<16x80xf32, #tpu.memory_space<vmem_shared>>
        tpu.wait_dma2 semaphore(%run_scoped3A : memref<!tpu.dma_semaphore, #tpu.memory_space<semaphore_mem>>) src(%dma_wait3A_35 : memref<16x80xf32, #tpu.memory_space<vmem_shared>>) dst(%dma_wait3A_32 : memref<16x80xf32, #tpu.memory_space<hbm>>)
        tpu.yield
      }) : () -> ()
    } else {
    }
    return
  }
}

#map = affine_map<(d0, d1) -> (0, 0)>
#map1 = affine_map<(d0, d1) -> (0)>
#map2 = affine_map<(d0, d1) -> (0, 0, 0)>
module attributes {stable_mosaic.version = 14 : i64} {
  func.func @kernel(%arg0: i32, %arg1: i32, %arg2: memref<10000x128xf32, #tpu.memory_space<hbm>>, %arg3: memref<320000xi32, #tpu.memory_space<hbm>>, %arg4: memref<320000xi32, #tpu.memory_space<hbm>>, %arg5: memref<10000x80xf32, #tpu.memory_space<hbm>>, %arg6: memref<2x10000x80xf32, #tpu.memory_space<hbm>>, %arg7: memref<128xi32, #tpu.memory_space<vmem>>, %arg8: memref<128xi32, #tpu.memory_space<vmem>>, %arg9: memref<128x128xf32, #tpu.memory_space<vmem>>, %arg10: memref<128x128xf32, #tpu.memory_space<vmem>>, %arg11: memref<128x80xf32, #tpu.memory_space<vmem>>, %arg12: memref<10000x80xf32, #tpu.memory_space<vmem_shared>>, %arg13: memref<!tpu.dma_semaphore, #tpu.memory_space<semaphore_mem>>, %arg14: memref<!tpu.dma_semaphore, #tpu.memory_space<semaphore_mem>>) attributes {dimension_semantics = [#tpu.dimension_semantics<core_parallel>, #tpu.dimension_semantics<subcore_parallel>], iteration_bounds = array<i64: 2, 16>, scalar_prefetch = 0 : i64, scratch_operands = 8 : i64, tpu.core_type = #tpu.core_type<sc_vector_subcore>, window_params = [{transform_indices = #map}, {transform_indices = #map1}, {transform_indices = #map1}, {transform_indices = #map}, {transform_indices = #map2}]} {
    %mul3A = arith.constant 2 : i32
    %mul3A_0 = arith.muli %arg1, %mul3A : i32
    %add3A = arith.addi %mul3A_0, %arg0 : i32
    %mul3A_1 = arith.constant 624 : i32
    %mul3A_2 = arith.muli %arg1, %mul3A_1 : i32
    %multiple_of3A = tpu.assume_multiple %mul3A_2, 8 : i32
    "tpu.region"() ({
      %run_scoped3A = tpu.sem_alloc : memref<!tpu.dma_semaphore, #tpu.memory_space<semaphore_mem>>
      %dma_start3A = arith.constant 0 : i32
      %dma_start3A_18 = tpu.memref_slice %arg12[%multiple_of3A, %dma_start3A] : memref<10000x80xf32, #tpu.memory_space<vmem_shared>> -> memref<624x80xf32, #tpu.memory_space<vmem_shared>>
      %dma_start3A_19 = arith.constant 0 : i32
      %dma_start3A_20 = tpu.memref_slice %arg5[%multiple_of3A, %dma_start3A_19] : memref<10000x80xf32, #tpu.memory_space<hbm>> -> memref<624x80xf32, #tpu.memory_space<hbm>>
      tpu.enqueue_dma source(%dma_start3A_20 : memref<624x80xf32, #tpu.memory_space<hbm>>) target(%dma_start3A_18 : memref<624x80xf32, #tpu.memory_space<vmem_shared>>) target_semaphore(%run_scoped3A : memref<!tpu.dma_semaphore, #tpu.memory_space<semaphore_mem>>)
      %dma_wait3A = arith.constant 0 : i32
      %dma_wait3A_21 = tpu.memref_slice %arg12[%multiple_of3A, %dma_wait3A] : memref<10000x80xf32, #tpu.memory_space<vmem_shared>> -> memref<624x80xf32, #tpu.memory_space<vmem_shared>>
      %dma_wait3A_22 = arith.constant 0 : i32
      %dma_wait3A_23 = tpu.memref_slice %arg5[%multiple_of3A, %dma_wait3A_22] : memref<10000x80xf32, #tpu.memory_space<hbm>> -> memref<624x80xf32, #tpu.memory_space<hbm>>
      tpu.wait_dma2 semaphore(%run_scoped3A : memref<!tpu.dma_semaphore, #tpu.memory_space<semaphore_mem>>) src(%dma_wait3A_23 : memref<624x80xf32, #tpu.memory_space<hbm>>) dst(%dma_wait3A_21 : memref<624x80xf32, #tpu.memory_space<vmem_shared>>)
      tpu.yield
    }) : () -> ()
    %eq3A = arith.constant 0 : i32
    %eq3A_3 = arith.cmpi eq, %arg1, %eq3A : i32
    %convert_element_type3A = arith.extui %eq3A_3 : i1 to i32
    %cond3A = arith.constant 0 : i32
    %cond3A_4 = arith.cmpi ne, %convert_element_type3A, %cond3A : i32
    scf.if %cond3A_4 {
      "tpu.region"() ({
        %run_scoped3A = tpu.sem_alloc : memref<!tpu.dma_semaphore, #tpu.memory_space<semaphore_mem>>
        %dma_start3A = arith.constant 9984 : i32
        %dma_start3A_18 = arith.constant 0 : i32
        %dma_start3A_19 = tpu.memref_slice %arg12[%dma_start3A, %dma_start3A_18] : memref<10000x80xf32, #tpu.memory_space<vmem_shared>> -> memref<16x80xf32, #tpu.memory_space<vmem_shared>>
        %dma_start3A_20 = arith.constant 9984 : i32
        %dma_start3A_21 = arith.constant 0 : i32
        %dma_start3A_22 = tpu.memref_slice %arg5[%dma_start3A_20, %dma_start3A_21] : memref<10000x80xf32, #tpu.memory_space<hbm>> -> memref<16x80xf32, #tpu.memory_space<hbm>>
        tpu.enqueue_dma source(%dma_start3A_22 : memref<16x80xf32, #tpu.memory_space<hbm>>) target(%dma_start3A_19 : memref<16x80xf32, #tpu.memory_space<vmem_shared>>) target_semaphore(%run_scoped3A : memref<!tpu.dma_semaphore, #tpu.memory_space<semaphore_mem>>)
        %dma_wait3A = arith.constant 9984 : i32
        %dma_wait3A_23 = arith.constant 0 : i32
        %dma_wait3A_24 = tpu.memref_slice %arg12[%dma_wait3A, %dma_wait3A_23] : memref<10000x80xf32, #tpu.memory_space<vmem_shared>> -> memref<16x80xf32, #tpu.memory_space<vmem_shared>>
        %dma_wait3A_25 = arith.constant 9984 : i32
        %dma_wait3A_26 = arith.constant 0 : i32
        %dma_wait3A_27 = tpu.memref_slice %arg5[%dma_wait3A_25, %dma_wait3A_26] : memref<10000x80xf32, #tpu.memory_space<hbm>> -> memref<16x80xf32, #tpu.memory_space<hbm>>
        tpu.wait_dma2 semaphore(%run_scoped3A : memref<!tpu.dma_semaphore, #tpu.memory_space<semaphore_mem>>) src(%dma_wait3A_27 : memref<16x80xf32, #tpu.memory_space<hbm>>) dst(%dma_wait3A_24 : memref<16x80xf32, #tpu.memory_space<vmem_shared>>)
        tpu.yield
      }) : () -> ()
    } else {
    }
    %barrier3A = arith.constant 0 : index
    tpu.barrier barrier_id(%barrier3A)
    %iota3A = tpu.iota {dimensions = array<i32: 0>} : vector<16xi32>
    %ge3A = arith.constant 8 : i32
    %ge3A_5 = vector.broadcast %ge3A : i32 to vector<16xi32>
    %ge3A_6 = arith.cmpi sge, %iota3A, %ge3A_5 : vector<16xi32>
    %convert_element_type3A_7 = arith.extui %ge3A_6 : vector<16xi1> to vector<16xi32>
    %scan3A = arith.constant 0 : i32
    %scan3A_8 = arith.constant 79 : i32
    %scan3A_9 = arith.addi %scan3A, %scan3A_8 : i32
    %scan3A_10 = arith.constant 1 : i32
    scf.for %scan3A_18 = %scan3A to %scan3A_9 step %scan3A_10  : i32 {
      %mul3A_19 = arith.constant 1 : i32
      %mul3A_20 = arith.muli %scan3A_18, %mul3A_19 : i32
      %add3A_21 = arith.constant 0 : i32
      %add3A_22 = arith.addi %add3A_21, %mul3A_20 : i32
      %mul3A_23 = arith.constant 32 : i32
      %mul3A_24 = arith.muli %add3A_22, %mul3A_23 : i32
      %add3A_25 = arith.addi %mul3A_24, %add3A : i32
      %lt3A = arith.constant 2500 : i32
      %lt3A_26 = arith.cmpi slt, %add3A_25, %lt3A : i32
      %convert_element_type3A_27 = arith.extui %lt3A_26 : i1 to i32
      %cond3A_28 = arith.constant 0 : i32
      %cond3A_29 = arith.cmpi ne, %convert_element_type3A_27, %cond3A_28 : i32
      scf.if %cond3A_29 {
        %mul3A_30 = arith.constant 128 : i32
        %mul3A_31 = arith.muli %add3A_25, %mul3A_30 : i32
        %multiple_of3A_32 = tpu.assume_multiple %mul3A_31, 8 : i32
        "tpu.region"() ({
          %run_scoped3A = tpu.sem_alloc : memref<!tpu.dma_semaphore, #tpu.memory_space<semaphore_mem>>
          %dma_start3A_45 = tpu.memref_slice %arg3[%multiple_of3A_32] : memref<320000xi32, #tpu.memory_space<hbm>> -> memref<128xi32, #tpu.memory_space<hbm>>
          %dma_start3A_46 = tpu.memref_slice %arg3[%multiple_of3A_32] : memref<320000xi32, #tpu.memory_space<hbm>> -> memref<128xi32, #tpu.memory_space<hbm>>
          tpu.enqueue_dma source(%dma_start3A_46 : memref<128xi32, #tpu.memory_space<hbm>>) target(%arg7 : memref<128xi32, #tpu.memory_space<vmem>>) target_semaphore(%run_scoped3A : memref<!tpu.dma_semaphore, #tpu.memory_space<semaphore_mem>>)
          %dma_wait3A_47 = tpu.memref_slice %arg3[%multiple_of3A_32] : memref<320000xi32, #tpu.memory_space<hbm>> -> memref<128xi32, #tpu.memory_space<hbm>>
          %dma_wait3A_48 = tpu.memref_slice %arg3[%multiple_of3A_32] : memref<320000xi32, #tpu.memory_space<hbm>> -> memref<128xi32, #tpu.memory_space<hbm>>
          tpu.wait_dma2 semaphore(%run_scoped3A : memref<!tpu.dma_semaphore, #tpu.memory_space<semaphore_mem>>) src(%dma_wait3A_48 : memref<128xi32, #tpu.memory_space<hbm>>) dst(%arg7 : memref<128xi32, #tpu.memory_space<vmem>>)
          tpu.yield
        }) : () -> ()
        "tpu.region"() ({
          %run_scoped3A = tpu.sem_alloc : memref<!tpu.dma_semaphore, #tpu.memory_space<semaphore_mem>>
          %dma_start3A_45 = tpu.memref_slice %arg4[%multiple_of3A_32] : memref<320000xi32, #tpu.memory_space<hbm>> -> memref<128xi32, #tpu.memory_space<hbm>>
          %dma_start3A_46 = tpu.memref_slice %arg4[%multiple_of3A_32] : memref<320000xi32, #tpu.memory_space<hbm>> -> memref<128xi32, #tpu.memory_space<hbm>>
          tpu.enqueue_dma source(%dma_start3A_46 : memref<128xi32, #tpu.memory_space<hbm>>) target(%arg8 : memref<128xi32, #tpu.memory_space<vmem>>) target_semaphore(%run_scoped3A : memref<!tpu.dma_semaphore, #tpu.memory_space<semaphore_mem>>)
          %dma_wait3A_47 = tpu.memref_slice %arg4[%multiple_of3A_32] : memref<320000xi32, #tpu.memory_space<hbm>> -> memref<128xi32, #tpu.memory_space<hbm>>
          %dma_wait3A_48 = tpu.memref_slice %arg4[%multiple_of3A_32] : memref<320000xi32, #tpu.memory_space<hbm>> -> memref<128xi32, #tpu.memory_space<hbm>>
          tpu.wait_dma2 semaphore(%run_scoped3A : memref<!tpu.dma_semaphore, #tpu.memory_space<semaphore_mem>>) src(%dma_wait3A_48 : memref<128xi32, #tpu.memory_space<hbm>>) dst(%arg8 : memref<128xi32, #tpu.memory_space<vmem>>)
          tpu.yield
        }) : () -> ()
        %dma_start3A = arith.constant 0 : i32
        %dma_start3A_33 = arith.constant 0 : i32
        %dma_start3A_34 = tpu.memref_slice %arg2[%dma_start3A, %dma_start3A_33] : memref<10000x128xf32, #tpu.memory_space<hbm>> -> memref<10000x128xf32, #tpu.memory_space<hbm>>
        tpu.enqueue_indirect_dma source(%dma_start3A_34 : memref<10000x128xf32, #tpu.memory_space<hbm>>) target(%arg9 : memref<128x128xf32, #tpu.memory_space<vmem>>) offsets(%arg7 : memref<128xi32, #tpu.memory_space<vmem>>) semaphore(%arg13 : memref<!tpu.dma_semaphore, #tpu.memory_space<semaphore_mem>>)
        %dma_start3A_35 = arith.constant 0 : i32
        %dma_start3A_36 = arith.constant 0 : i32
        %dma_start3A_37 = tpu.memref_slice %arg2[%dma_start3A_35, %dma_start3A_36] : memref<10000x128xf32, #tpu.memory_space<hbm>> -> memref<10000x128xf32, #tpu.memory_space<hbm>>
        tpu.enqueue_indirect_dma source(%dma_start3A_37 : memref<10000x128xf32, #tpu.memory_space<hbm>>) target(%arg10 : memref<128x128xf32, #tpu.memory_space<vmem>>) offsets(%arg8 : memref<128xi32, #tpu.memory_space<vmem>>) semaphore(%arg14 : memref<!tpu.dma_semaphore, #tpu.memory_space<semaphore_mem>>)
        %dma_wait3A = arith.constant 0 : i32
        %dma_wait3A_38 = arith.constant 0 : i32
        %dma_wait3A_39 = tpu.memref_slice %arg2[%dma_wait3A, %dma_wait3A_38] : memref<10000x128xf32, #tpu.memory_space<hbm>> -> memref<10000x128xf32, #tpu.memory_space<hbm>>
        tpu.wait_indirect_dma semaphore(%arg13 : memref<!tpu.dma_semaphore, #tpu.memory_space<semaphore_mem>>) src(%dma_wait3A_39 : memref<10000x128xf32, #tpu.memory_space<hbm>>) dst(%arg9 : memref<128x128xf32, #tpu.memory_space<vmem>>)
        %dma_wait3A_40 = arith.constant 0 : i32
        %dma_wait3A_41 = arith.constant 0 : i32
        %dma_wait3A_42 = tpu.memref_slice %arg2[%dma_wait3A_40, %dma_wait3A_41] : memref<10000x128xf32, #tpu.memory_space<hbm>> -> memref<10000x128xf32, #tpu.memory_space<hbm>>
        tpu.wait_indirect_dma semaphore(%arg14 : memref<!tpu.dma_semaphore, #tpu.memory_space<semaphore_mem>>) src(%dma_wait3A_42 : memref<10000x128xf32, #tpu.memory_space<hbm>>) dst(%arg10 : memref<128x128xf32, #tpu.memory_space<vmem>>)
        %parallel_loop3A = arith.constant 0 : i32
        %parallel_loop3A_43 = arith.constant 128 : i32
        %parallel_loop3A_44 = arith.constant 1 : i32
        scf.for %parallel_loop3A_45 = %parallel_loop3A to %parallel_loop3A_43 step %parallel_loop3A_44  : i32 {
          %parallel_loop3A_46 = arith.index_cast %parallel_loop3A_45 : i32 to index
          %parallel_loop3A_47 = arith.constant 64 : index
          %parallel_loop3A_48 = tpu.vector_load %arg9[%parallel_loop3A_46, %parallel_loop3A_47] {strides = array<i32>} : memref<128x128xf32, #tpu.memory_space<vmem>>, vector<16xf32>,
          %parallel_loop3A_49 = arith.index_cast %parallel_loop3A_45 : i32 to index
          %parallel_loop3A_50 = arith.constant 80 : index
          %parallel_loop3A_51 = tpu.vector_load %arg10[%parallel_loop3A_49, %parallel_loop3A_50] {strides = array<i32>} : memref<128x128xf32, #tpu.memory_space<vmem>>, vector<16xf32>,
          %parallel_loop3A_52 = arith.addf %parallel_loop3A_48, %parallel_loop3A_51 : vector<16xf32>
          %parallel_loop3A_53 = arith.constant 2.000000e-01 : f32
          %parallel_loop3A_54 = vector.broadcast %parallel_loop3A_53 : f32 to vector<16xf32>
          %parallel_loop3A_55 = arith.mulf %parallel_loop3A_54, %parallel_loop3A_52 : vector<16xf32>
          %parallel_loop3A_56 = arith.maximumf %parallel_loop3A_52, %parallel_loop3A_55 : vector<16xf32>
          %parallel_loop3A_57 = math.exp %parallel_loop3A_56 : vector<16xf32>
          %parallel_loop3A_58 = arith.index_cast %parallel_loop3A_45 : i32 to index
          %parallel_loop3A_59 = arith.constant 64 : index
          %parallel_loop3A_60 = tpu.vector_load %arg11[%parallel_loop3A_58, %parallel_loop3A_59] {strides = array<i32>} : memref<128x80xf32, #tpu.memory_space<vmem>>, vector<16xf32>,
          tpu.vector_store %arg11[%parallel_loop3A_58, %parallel_loop3A_59], %parallel_loop3A_57 {strides = array<i32>} : memref<128x80xf32, #tpu.memory_space<vmem>>, vector<16xf32>,
          %parallel_loop3A_61 = vector.broadcast %parallel_loop3A_45 : i32 to vector<16xi32>
          %parallel_loop3A_62 = arith.constant 64 : i32
          %parallel_loop3A_63 = vector.broadcast %parallel_loop3A_62 : i32 to vector<16xi32>
          %parallel_loop3A_64 = arith.addi %convert_element_type3A_7, %parallel_loop3A_63 : vector<16xi32>
          %parallel_loop3A_65 = tpu.vector_load_idx %arg11[%parallel_loop3A_61, %parallel_loop3A_64] : memref<128x80xf32, #tpu.memory_space<vmem>>[vector<16xi32>, vector<16xi32>], vector<16xf32>,
          %parallel_loop3A_66 = arith.index_cast %parallel_loop3A_45 : i32 to index
          %parallel_loop3A_67 = arith.constant 0 : index
          %parallel_loop3A_68 = tpu.vector_load %arg9[%parallel_loop3A_66, %parallel_loop3A_67] {strides = array<i32>} : memref<128x128xf32, #tpu.memory_space<vmem>>, vector<16xf32>,
          %parallel_loop3A_69 = arith.mulf %parallel_loop3A_68, %parallel_loop3A_65 : vector<16xf32>
          %parallel_loop3A_70 = arith.index_cast %parallel_loop3A_45 : i32 to index
          %parallel_loop3A_71 = arith.constant 0 : index
          %parallel_loop3A_72 = tpu.vector_load %arg11[%parallel_loop3A_70, %parallel_loop3A_71] {strides = array<i32>} : memref<128x80xf32, #tpu.memory_space<vmem>>, vector<16xf32>,
          tpu.vector_store %arg11[%parallel_loop3A_70, %parallel_loop3A_71], %parallel_loop3A_69 {strides = array<i32>} : memref<128x80xf32, #tpu.memory_space<vmem>>, vector<16xf32>,
          %parallel_loop3A_73 = arith.constant 66 : i32
          %parallel_loop3A_74 = vector.broadcast %parallel_loop3A_73 : i32 to vector<16xi32>
          %parallel_loop3A_75 = arith.addi %convert_element_type3A_7, %parallel_loop3A_74 : vector<16xi32>
          %parallel_loop3A_76 = tpu.vector_load_idx %arg11[%parallel_loop3A_61, %parallel_loop3A_75] : memref<128x80xf32, #tpu.memory_space<vmem>>[vector<16xi32>, vector<16xi32>], vector<16xf32>,
          %parallel_loop3A_77 = arith.index_cast %parallel_loop3A_45 : i32 to index
          %parallel_loop3A_78 = arith.constant 16 : index
          %parallel_loop3A_79 = tpu.vector_load %arg9[%parallel_loop3A_77, %parallel_loop3A_78] {strides = array<i32>} : memref<128x128xf32, #tpu.memory_space<vmem>>, vector<16xf32>,
          %parallel_loop3A_80 = arith.mulf %parallel_loop3A_79, %parallel_loop3A_76 : vector<16xf32>
          %parallel_loop3A_81 = arith.index_cast %parallel_loop3A_45 : i32 to index
          %parallel_loop3A_82 = arith.constant 16 : index
          %parallel_loop3A_83 = tpu.vector_load %arg11[%parallel_loop3A_81, %parallel_loop3A_82] {strides = array<i32>} : memref<128x80xf32, #tpu.memory_space<vmem>>, vector<16xf32>,
          tpu.vector_store %arg11[%parallel_loop3A_81, %parallel_loop3A_82], %parallel_loop3A_80 {strides = array<i32>} : memref<128x80xf32, #tpu.memory_space<vmem>>, vector<16xf32>,
          %parallel_loop3A_84 = arith.constant 68 : i32
          %parallel_loop3A_85 = vector.broadcast %parallel_loop3A_84 : i32 to vector<16xi32>
          %parallel_loop3A_86 = arith.addi %convert_element_type3A_7, %parallel_loop3A_85 : vector<16xi32>
          %parallel_loop3A_87 = tpu.vector_load_idx %arg11[%parallel_loop3A_61, %parallel_loop3A_86] : memref<128x80xf32, #tpu.memory_space<vmem>>[vector<16xi32>, vector<16xi32>], vector<16xf32>,
          %parallel_loop3A_88 = arith.index_cast %parallel_loop3A_45 : i32 to index
          %parallel_loop3A_89 = arith.constant 32 : index
          %parallel_loop3A_90 = tpu.vector_load %arg9[%parallel_loop3A_88, %parallel_loop3A_89] {strides = array<i32>} : memref<128x128xf32, #tpu.memory_space<vmem>>, vector<16xf32>,
          %parallel_loop3A_91 = arith.mulf %parallel_loop3A_90, %parallel_loop3A_87 : vector<16xf32>
          %parallel_loop3A_92 = arith.index_cast %parallel_loop3A_45 : i32 to index
          %parallel_loop3A_93 = arith.constant 32 : index
          %parallel_loop3A_94 = tpu.vector_load %arg11[%parallel_loop3A_92, %parallel_loop3A_93] {strides = array<i32>} : memref<128x80xf32, #tpu.memory_space<vmem>>, vector<16xf32>,
          tpu.vector_store %arg11[%parallel_loop3A_92, %parallel_loop3A_93], %parallel_loop3A_91 {strides = array<i32>} : memref<128x80xf32, #tpu.memory_space<vmem>>, vector<16xf32>,
          %parallel_loop3A_95 = arith.constant 70 : i32
          %parallel_loop3A_96 = vector.broadcast %parallel_loop3A_95 : i32 to vector<16xi32>
          %parallel_loop3A_97 = arith.addi %convert_element_type3A_7, %parallel_loop3A_96 : vector<16xi32>
          %parallel_loop3A_98 = tpu.vector_load_idx %arg11[%parallel_loop3A_61, %parallel_loop3A_97] : memref<128x80xf32, #tpu.memory_space<vmem>>[vector<16xi32>, vector<16xi32>], vector<16xf32>,
          %parallel_loop3A_99 = arith.index_cast %parallel_loop3A_45 : i32 to index
          %parallel_loop3A_100 = arith.constant 48 : index
          %parallel_loop3A_101 = tpu.vector_load %arg9[%parallel_loop3A_99, %parallel_loop3A_100] {strides = array<i32>} : memref<128x128xf32, #tpu.memory_space<vmem>>, vector<16xf32>,
          %parallel_loop3A_102 = arith.mulf %parallel_loop3A_101, %parallel_loop3A_98 : vector<16xf32>
          %parallel_loop3A_103 = arith.index_cast %parallel_loop3A_45 : i32 to index
          %parallel_loop3A_104 = arith.constant 48 : index
          %parallel_loop3A_105 = tpu.vector_load %arg11[%parallel_loop3A_103, %parallel_loop3A_104] {strides = array<i32>} : memref<128x80xf32, #tpu.memory_space<vmem>>, vector<16xf32>,
          tpu.vector_store %arg11[%parallel_loop3A_103, %parallel_loop3A_104], %parallel_loop3A_102 {strides = array<i32>} : memref<128x80xf32, #tpu.memory_space<vmem>>, vector<16xf32>,
        } {sc.loop_unroll_factor = 8 : i64, sc.parallel_access}
        "tpu.region"() ({
          %run_scoped3A = tpu.sem_alloc : memref<!tpu.dma_semaphore, #tpu.memory_space<semaphore_mem>>
          %dma_start3A_45 = arith.constant 0 : i32
          %dma_start3A_46 = arith.constant 0 : i32
          %dma_start3A_47 = tpu.memref_slice %arg12[%dma_start3A_45, %dma_start3A_46] : memref<10000x80xf32, #tpu.memory_space<vmem_shared>> -> memref<10000x80xf32, #tpu.memory_space<vmem_shared>>
          tpu.enqueue_indirect_dma source(%arg11 : memref<128x80xf32, #tpu.memory_space<vmem>>) target(%dma_start3A_47 : memref<10000x80xf32, #tpu.memory_space<vmem_shared>>) offsets(%arg8 : memref<128xi32, #tpu.memory_space<vmem>>) semaphore(%run_scoped3A : memref<!tpu.dma_semaphore, #tpu.memory_space<semaphore_mem>>) {add = true}
          %dma_wait3A_48 = arith.constant 0 : i32
          %dma_wait3A_49 = arith.constant 0 : i32
          %dma_wait3A_50 = tpu.memref_slice %arg12[%dma_wait3A_48, %dma_wait3A_49] : memref<10000x80xf32, #tpu.memory_space<vmem_shared>> -> memref<10000x80xf32, #tpu.memory_space<vmem_shared>>
          tpu.wait_indirect_dma semaphore(%run_scoped3A : memref<!tpu.dma_semaphore, #tpu.memory_space<semaphore_mem>>) src(%arg11 : memref<128x80xf32, #tpu.memory_space<vmem>>) dst(%dma_wait3A_50 : memref<10000x80xf32, #tpu.memory_space<vmem_shared>>)
          tpu.yield
        }) : () -> ()
      } else {
      }
    }
    %scan3A_11 = arith.constant 79 : i32
    %barrier3A_12 = arith.constant 0 : index
    tpu.barrier barrier_id(%barrier3A_12)
    "tpu.region"() ({
      %run_scoped3A = tpu.sem_alloc : memref<!tpu.dma_semaphore, #tpu.memory_space<semaphore_mem>>
      %dma_start3A = arith.constant 0 : i32
      %dma_start3A_18 = arith.constant 0 : i32
      %dma_start3A_19 = tpu.memref_slice %arg6[%arg0, %dma_start3A, %dma_start3A_18] : memref<2x10000x80xf32, #tpu.memory_space<hbm>> -> memref<1x10000x80xf32, #tpu.memory_space<hbm>>
      %dma_start3A_20 = tpu.memref_squeeze %dma_start3A_19 : memref<1x10000x80xf32, #tpu.memory_space<hbm>> -> memref<10000x80xf32, #tpu.memory_space<hbm>>
      %dma_start3A_21 = arith.constant 0 : i32
      %dma_start3A_22 = tpu.memref_slice %dma_start3A_20[%multiple_of3A, %dma_start3A_21] : memref<10000x80xf32, #tpu.memory_space<hbm>> -> memref<624x80xf32, #tpu.memory_space<hbm>>
      %dma_start3A_23 = arith.constant 0 : i32
      %dma_start3A_24 = tpu.memref_slice %arg12[%multiple_of3A, %dma_start3A_23] : memref<10000x80xf32, #tpu.memory_space<vmem_shared>> -> memref<624x80xf32, #tpu.memory_space<vmem_shared>>
      tpu.enqueue_dma source(%dma_start3A_24 : memref<624x80xf32, #tpu.memory_space<vmem_shared>>) target(%dma_start3A_22 : memref<624x80xf32, #tpu.memory_space<hbm>>) target_semaphore(%run_scoped3A : memref<!tpu.dma_semaphore, #tpu.memory_space<semaphore_mem>>)
      %dma_wait3A = arith.constant 0 : i32
      %dma_wait3A_25 = arith.constant 0 : i32
      %dma_wait3A_26 = tpu.memref_slice %arg6[%arg0, %dma_wait3A, %dma_wait3A_25] : memref<2x10000x80xf32, #tpu.memory_space<hbm>> -> memref<1x10000x80xf32, #tpu.memory_space<hbm>>
      %dma_wait3A_27 = tpu.memref_squeeze %dma_wait3A_26 : memref<1x10000x80xf32, #tpu.memory_space<hbm>> -> memref<10000x80xf32, #tpu.memory_space<hbm>>
      %dma_wait3A_28 = arith.constant 0 : i32
      %dma_wait3A_29 = tpu.memref_slice %dma_wait3A_27[%multiple_of3A, %dma_wait3A_28] : memref<10000x80xf32, #tpu.memory_space<hbm>> -> memref<624x80xf32, #tpu.memory_space<hbm>>
      %dma_wait3A_30 = arith.constant 0 : i32
      %dma_wait3A_31 = tpu.memref_slice %arg12[%multiple_of3A, %dma_wait3A_30] : memref<10000x80xf32, #tpu.memory_space<vmem_shared>> -> memref<624x80xf32, #tpu.memory_space<vmem_shared>>
      tpu.wait_dma2 semaphore(%run_scoped3A : memref<!tpu.dma_semaphore, #tpu.memory_space<semaphore_mem>>) src(%dma_wait3A_31 : memref<624x80xf32, #tpu.memory_space<vmem_shared>>) dst(%dma_wait3A_29 : memref<624x80xf32, #tpu.memory_space<hbm>>)
      tpu.yield
    }) : () -> ()
    %eq3A_13 = arith.constant 0 : i32
    %eq3A_14 = arith.cmpi eq, %arg1, %eq3A_13 : i32
    %convert_element_type3A_15 = arith.extui %eq3A_14 : i1 to i32
    %cond3A_16 = arith.constant 0 : i32
    %cond3A_17 = arith.cmpi ne, %convert_element_type3A_15, %cond3A_16 : i32
    scf.if %cond3A_17 {
      "tpu.region"() ({
        %run_scoped3A = tpu.sem_alloc : memref<!tpu.dma_semaphore, #tpu.memory_space<semaphore_mem>>
        %dma_start3A = arith.constant 0 : i32
        %dma_start3A_18 = arith.constant 0 : i32
        %dma_start3A_19 = tpu.memref_slice %arg6[%arg0, %dma_start3A, %dma_start3A_18] : memref<2x10000x80xf32, #tpu.memory_space<hbm>> -> memref<1x10000x80xf32, #tpu.memory_space<hbm>>
        %dma_start3A_20 = tpu.memref_squeeze %dma_start3A_19 : memref<1x10000x80xf32, #tpu.memory_space<hbm>> -> memref<10000x80xf32, #tpu.memory_space<hbm>>
        %dma_start3A_21 = arith.constant 9984 : i32
        %dma_start3A_22 = arith.constant 0 : i32
        %dma_start3A_23 = tpu.memref_slice %dma_start3A_20[%dma_start3A_21, %dma_start3A_22] : memref<10000x80xf32, #tpu.memory_space<hbm>> -> memref<16x80xf32, #tpu.memory_space<hbm>>
        %dma_start3A_24 = arith.constant 9984 : i32
        %dma_start3A_25 = arith.constant 0 : i32
        %dma_start3A_26 = tpu.memref_slice %arg12[%dma_start3A_24, %dma_start3A_25] : memref<10000x80xf32, #tpu.memory_space<vmem_shared>> -> memref<16x80xf32, #tpu.memory_space<vmem_shared>>
        tpu.enqueue_dma source(%dma_start3A_26 : memref<16x80xf32, #tpu.memory_space<vmem_shared>>) target(%dma_start3A_23 : memref<16x80xf32, #tpu.memory_space<hbm>>) target_semaphore(%run_scoped3A : memref<!tpu.dma_semaphore, #tpu.memory_space<semaphore_mem>>)
        %dma_wait3A = arith.constant 0 : i32
        %dma_wait3A_27 = arith.constant 0 : i32
        %dma_wait3A_28 = tpu.memref_slice %arg6[%arg0, %dma_wait3A, %dma_wait3A_27] : memref<2x10000x80xf32, #tpu.memory_space<hbm>> -> memref<1x10000x80xf32, #tpu.memory_space<hbm>>
        %dma_wait3A_29 = tpu.memref_squeeze %dma_wait3A_28 : memref<1x10000x80xf32, #tpu.memory_space<hbm>> -> memref<10000x80xf32, #tpu.memory_space<hbm>>
        %dma_wait3A_30 = arith.constant 9984 : i32
        %dma_wait3A_31 = arith.constant 0 : i32
        %dma_wait3A_32 = tpu.memref_slice %dma_wait3A_29[%dma_wait3A_30, %dma_wait3A_31] : memref<10000x80xf32, #tpu.memory_space<hbm>> -> memref<16x80xf32, #tpu.memory_space<hbm>>
        %dma_wait3A_33 = arith.constant 9984 : i32
        %dma_wait3A_34 = arith.constant 0 : i32
        %dma_wait3A_35 = tpu.memref_slice %arg12[%dma_wait3A_33, %dma_wait3A_34] : memref<10000x80xf32, #tpu.memory_space<vmem_shared>> -> memref<16x80xf32, #tpu.memory_space<vmem_shared>>
        tpu.wait_dma2 semaphore(%run_scoped3A : memref<!tpu.dma_semaphore, #tpu.memory_space<semaphore_mem>>) src(%dma_wait3A_35 : memref<16x80xf32, #tpu.memory_space<vmem_shared>>) dst(%dma_wait3A_32 : memref<16x80xf32, #tpu.memory_space<hbm>>)
        tpu.yield
      }) : () -> ()
    } else {
    }
    return
  }
}

module attributes {stable_mosaic.version = 14 : i64} {
  func.func @_tc_prep1_body(%arg0: i32, %arg1: memref<1000x128xf32, #tpu.memory_space<vmem>>, %arg2: memref<128x64xf32, #tpu.memory_space<vmem>>, %arg3: memref<64x128xf32, #tpu.memory_space<vmem>>, %arg4: memref<1000x128xf32, #tpu.memory_space<vmem>>) attributes {dimension_semantics = [#tpu.dimension_semantics<arbitrary>], iteration_bounds = array<i64: 10>, scalar_prefetch = 0 : i64, scratch_operands = 0 : i64, tpu.core_type = #tpu.core_type<tc>, window_params = [{transform_indices = @transform_0, window_bounds = array<i64: 1000, 128>}, {pipeline_mode = #tpu.pipeline_mode<synchronous>, transform_indices = @transform_1, window_bounds = array<i64: 128, 64>}, {pipeline_mode = #tpu.pipeline_mode<synchronous>, transform_indices = @transform_2, window_bounds = array<i64: 64, 128>}, {transform_indices = @transform_3, window_bounds = array<i64: 1000, 128>}]} {
    %get3A = arith.constant 0 : index
    %get3A_0 = arith.constant 0 : index
    %get3A_1 = vector.load %arg1[%get3A, %get3A_0] : memref<1000x128xf32, #tpu.memory_space<vmem>>, vector<1000x128xf32>
    %get3A_2 = arith.constant 0 : index
    %get3A_3 = arith.constant 0 : index
    %get3A_4 = vector.load %arg2[%get3A_2, %get3A_3] : memref<128x64xf32, #tpu.memory_space<vmem>>, vector<128x64xf32>
    %dot_general3A = arith.constant dense<0.000000e+00> : vector<1000x64xf32>
    %dot_general3A_5 = tpu.matmul %get3A_1, %get3A_4, %dot_general3A {dimension_numbers = #tpu.dot_dimension_numbers<[1], [0], [0], [1], [0, 0, 1, 1], [], []>, transpose_lhs_hint = false} : vector<1000x128xf32>, vector<128x64xf32>, vector<1000x64xf32> -> vector<1000x64xf32>
    %get3A_6 = arith.constant 0 : index
    %get3A_7 = arith.constant 0 : index
    %get3A_8 = vector.load %arg3[%get3A_6, %get3A_7] : memref<64x128xf32, #tpu.memory_space<vmem>>, vector<64x128xf32>
    %dot_general3A_9 = arith.constant dense<0.000000e+00> : vector<1000x128xf32>
    %dot_general3A_10 = tpu.matmul %dot_general3A_5, %get3A_8, %dot_general3A_9 {dimension_numbers = #tpu.dot_dimension_numbers<[1], [0], [0], [1], [0, 0, 1, 1], [], []>, transpose_lhs_hint = false} : vector<1000x64xf32>, vector<64x128xf32>, vector<1000x128xf32> -> vector<1000x128xf32>
    %swap3A = arith.constant 0 : index
    %swap3A_11 = arith.constant 0 : index
    %swap3A_12 = vector.load %arg4[%swap3A, %swap3A_11] : memref<1000x128xf32, #tpu.memory_space<vmem>>, vector<1000x128xf32>
    tpu.vector_store %arg4[%swap3A, %swap3A_11], %dot_general3A_10 {strides = array<i32>} : memref<1000x128xf32, #tpu.memory_space<vmem>>, vector<1000x128xf32>,
    return
  }
  func.func @transform_0(%arg0: i32) -> (i32, i32) {
    %c0_i32 = arith.constant 0 : i32
    %c0_i32_0 = arith.constant 0 : i32
    return %arg0, %c0_i32 : i32, i32
  }
  func.func @transform_1(%arg0: i32) -> (i32, i32) {
    %c0_i32 = arith.constant 0 : i32
    %c0_i32_0 = arith.constant 0 : i32
    %c0_i32_1 = arith.constant 0 : i32
    return %c0_i32, %c0_i32_0 : i32, i32
  }
  func.func @transform_2(%arg0: i32) -> (i32, i32) {
    %c0_i32 = arith.constant 0 : i32
    %c0_i32_0 = arith.constant 0 : i32
    %c0_i32_1 = arith.constant 0 : i32
    return %c0_i32, %c0_i32_0 : i32, i32
  }
  func.func @transform_3(%arg0: i32) -> (i32, i32) {
    %c0_i32 = arith.constant 0 : i32
    %c0_i32_0 = arith.constant 0 : i32
    return %arg0, %c0_i32 : i32, i32
  }
}

module attributes {stable_mosaic.version = 14 : i64} {
  func.func @_tc_mid_body(%arg0: i32, %arg1: memref<2x1000x80xf32, #tpu.memory_space<vmem>>, %arg2: memref<1x64xf32, #tpu.memory_space<vmem>>, %arg3: memref<64x64xf32, #tpu.memory_space<vmem>>, %arg4: memref<64x128xf32, #tpu.memory_space<vmem>>, %arg5: memref<80x64xf32, #tpu.memory_space<vmem>>, %arg6: memref<1000x128xf32, #tpu.memory_space<vmem>>) attributes {dimension_semantics = [#tpu.dimension_semantics<arbitrary>], iteration_bounds = array<i64: 10>, scalar_prefetch = 0 : i64, scratch_operands = 0 : i64, tpu.core_type = #tpu.core_type<tc>, window_params = [{transform_indices = @transform_0, window_bounds = array<i64: 2, 1000, 80>}, {pipeline_mode = #tpu.pipeline_mode<synchronous>, transform_indices = @transform_1, window_bounds = array<i64: 1, 64>}, {pipeline_mode = #tpu.pipeline_mode<synchronous>, transform_indices = @transform_2, window_bounds = array<i64: 64, 64>}, {pipeline_mode = #tpu.pipeline_mode<synchronous>, transform_indices = @transform_3, window_bounds = array<i64: 64, 128>}, {pipeline_mode = #tpu.pipeline_mode<synchronous>, transform_indices = @transform_4, window_bounds = array<i64: 80, 64>}, {transform_indices = @transform_5, window_bounds = array<i64: 1000, 128>}]} {
    %get3A = arith.constant 0 : index
    %get3A_0 = arith.constant 0 : index
    %get3A_1 = arith.constant 0 : index
    %get3A_2 = vector.load %arg1[%get3A, %get3A_0, %get3A_1] : memref<2x1000x80xf32, #tpu.memory_space<vmem>>, vector<1x1000x80xf32>
    %get3A_3 = vector.shape_cast %get3A_2 : vector<1x1000x80xf32> to vector<1000x80xf32>
    %get3A_4 = arith.constant 1 : index
    %get3A_5 = arith.constant 0 : index
    %get3A_6 = arith.constant 0 : index
    %get3A_7 = vector.load %arg1[%get3A_4, %get3A_5, %get3A_6] : memref<2x1000x80xf32, #tpu.memory_space<vmem>>, vector<1x1000x80xf32>
    %get3A_8 = vector.shape_cast %get3A_7 : vector<1x1000x80xf32> to vector<1000x80xf32>
    %add3A = arith.addf %get3A_3, %get3A_8 : vector<1000x80xf32>
    %get3A_9 = arith.constant 0 : index
    %get3A_10 = arith.constant 0 : index
    %get3A_11 = vector.load %arg5[%get3A_9, %get3A_10] : memref<80x64xf32, #tpu.memory_space<vmem>>, vector<80x64xf32>
    %dot_general3A = arith.constant dense<0.000000e+00> : vector<1000x64xf32>
    %dot_general3A_12 = tpu.matmul %add3A, %get3A_11, %dot_general3A {dimension_numbers = #tpu.dot_dimension_numbers<[1], [0], [0], [1], [0, 0, 1, 1], [], []>, transpose_lhs_hint = false} : vector<1000x80xf32>, vector<80x64xf32>, vector<1000x64xf32> -> vector<1000x64xf32>
    %slice3A = vector.extract_strided_slice %add3A {offsets = [0, 0], sizes = [1000, 64], strides = [1, 1]} : vector<1000x80xf32> to vector<1000x64xf32>
    %add3A_13 = arith.constant 1.000000e-16 : f32
    %add3A_14 = vector.broadcast %add3A_13 : f32 to vector<1000x64xf32>
    %add3A_15 = arith.addf %dot_general3A_12, %add3A_14 : vector<1000x64xf32>
    %div3A = arith.divf %slice3A, %add3A_15 : vector<1000x64xf32>
    %get3A_16 = arith.constant 0 : index
    %get3A_17 = arith.constant 0 : index
    %get3A_18 = vector.load %arg2[%get3A_16, %get3A_17] : memref<1x64xf32, #tpu.memory_space<vmem>>, vector<1x64xf32>
    %add3A_19 = vector.broadcast %get3A_18 : vector<1x64xf32> to vector<1000x64xf32>
    %add3A_20 = arith.addf %div3A, %add3A_19 : vector<1000x64xf32>
    %gt3A = arith.constant 0.000000e+00 : f32
    %gt3A_21 = vector.broadcast %gt3A : f32 to vector<1000x64xf32>
    %gt3A_22 = arith.cmpf ogt, %add3A_20, %gt3A_21 : vector<1000x64xf32>
    %min3A = arith.constant 0.000000e+00 : f32
    %min3A_23 = vector.broadcast %min3A : f32 to vector<1000x64xf32>
    %min3A_24 = arith.minimumf %add3A_20, %min3A_23 : vector<1000x64xf32>
    %exp3A = math.exp %min3A_24 : vector<1000x64xf32>
    %sub3A = arith.constant 1.000000e+00 : f32
    %sub3A_25 = vector.broadcast %sub3A : f32 to vector<1000x64xf32>
    %sub3A_26 = arith.subf %exp3A, %sub3A_25 : vector<1000x64xf32>
    %select_n3A = arith.select %gt3A_22, %add3A_20, %sub3A_26 : vector<1000x64xi1>, vector<1000x64xf32>
    %get3A_27 = arith.constant 0 : index
    %get3A_28 = arith.constant 0 : index
    %get3A_29 = vector.load %arg3[%get3A_27, %get3A_28] : memref<64x64xf32, #tpu.memory_space<vmem>>, vector<64x64xf32>
    %dot_general3A_30 = arith.constant dense<0.000000e+00> : vector<1000x64xf32>
    %dot_general3A_31 = tpu.matmul %select_n3A, %get3A_29, %dot_general3A_30 {dimension_numbers = #tpu.dot_dimension_numbers<[1], [0], [0], [1], [0, 0, 1, 1], [], []>, transpose_lhs_hint = false} : vector<1000x64xf32>, vector<64x64xf32>, vector<1000x64xf32> -> vector<1000x64xf32>
    %get3A_32 = arith.constant 0 : index
    %get3A_33 = arith.constant 0 : index
    %get3A_34 = vector.load %arg4[%get3A_32, %get3A_33] : memref<64x128xf32, #tpu.memory_space<vmem>>, vector<64x128xf32>
    %dot_general3A_35 = arith.constant dense<0.000000e+00> : vector<1000x128xf32>
    %dot_general3A_36 = tpu.matmul %dot_general3A_31, %get3A_34, %dot_general3A_35 {dimension_numbers = #tpu.dot_dimension_numbers<[1], [0], [0], [1], [0, 0, 1, 1], [], []>, transpose_lhs_hint = false} : vector<1000x64xf32>, vector<64x128xf32>, vector<1000x128xf32> -> vector<1000x128xf32>
    %swap3A = arith.constant 0 : index
    %swap3A_37 = arith.constant 0 : index
    %swap3A_38 = vector.load %arg6[%swap3A, %swap3A_37] : memref<1000x128xf32, #tpu.memory_space<vmem>>, vector<1000x128xf32>
    tpu.vector_store %arg6[%swap3A, %swap3A_37], %dot_general3A_36 {strides = array<i32>} : memref<1000x128xf32, #tpu.memory_space<vmem>>, vector<1000x128xf32>,
    return
  }
  func.func @transform_0(%arg0: i32) -> (i32, i32, i32) {
    %c0_i32 = arith.constant 0 : i32
    %c0_i32_0 = arith.constant 0 : i32
    %c0_i32_1 = arith.constant 0 : i32
    return %c0_i32, %arg0, %c0_i32_0 : i32, i32, i32
  }
  func.func @transform_1(%arg0: i32) -> (i32, i32) {
    %c0_i32 = arith.constant 0 : i32
    %c0_i32_0 = arith.constant 0 : i32
    %c0_i32_1 = arith.constant 0 : i32
    return %c0_i32, %c0_i32_0 : i32, i32
  }
  func.func @transform_2(%arg0: i32) -> (i32, i32) {
    %c0_i32 = arith.constant 0 : i32
    %c0_i32_0 = arith.constant 0 : i32
    %c0_i32_1 = arith.constant 0 : i32
    return %c0_i32, %c0_i32_0 : i32, i32
  }
  func.func @transform_3(%arg0: i32) -> (i32, i32) {
    %c0_i32 = arith.constant 0 : i32
    %c0_i32_0 = arith.constant 0 : i32
    %c0_i32_1 = arith.constant 0 : i32
    return %c0_i32, %c0_i32_0 : i32, i32
  }
  func.func @transform_4(%arg0: i32) -> (i32, i32) {
    %c0_i32 = arith.constant 0 : i32
    %c0_i32_0 = arith.constant 0 : i32
    %c0_i32_1 = arith.constant 0 : i32
    return %c0_i32, %c0_i32_0 : i32, i32
  }
  func.func @transform_5(%arg0: i32) -> (i32, i32) {
    %c0_i32 = arith.constant 0 : i32
    %c0_i32_0 = arith.constant 0 : i32
    return %arg0, %c0_i32 : i32, i32
  }
}

module attributes {stable_mosaic.version = 14 : i64} {
  func.func @_tc_final_body(%arg0: i32, %arg1: memref<2x1000x80xf32, #tpu.memory_space<vmem>>, %arg2: memref<1x64xf32, #tpu.memory_space<vmem>>, %arg3: memref<1000x64xf32, #tpu.memory_space<vmem>>) attributes {dimension_semantics = [#tpu.dimension_semantics<arbitrary>], iteration_bounds = array<i64: 10>, scalar_prefetch = 0 : i64, scratch_operands = 0 : i64, tpu.core_type = #tpu.core_type<tc>, window_params = [{transform_indices = @transform_0, window_bounds = array<i64: 2, 1000, 80>}, {pipeline_mode = #tpu.pipeline_mode<synchronous>, transform_indices = @transform_1, window_bounds = array<i64: 1, 64>}, {transform_indices = @transform_2, window_bounds = array<i64: 1000, 64>}]} {
    %get3A = arith.constant 0 : index
    %get3A_0 = arith.constant 0 : index
    %get3A_1 = arith.constant 0 : index
    %get3A_2 = vector.load %arg1[%get3A, %get3A_0, %get3A_1] : memref<2x1000x80xf32, #tpu.memory_space<vmem>>, vector<1x1000x80xf32>
    %get3A_3 = vector.shape_cast %get3A_2 : vector<1x1000x80xf32> to vector<1000x80xf32>
    %get3A_4 = arith.constant 1 : index
    %get3A_5 = arith.constant 0 : index
    %get3A_6 = arith.constant 0 : index
    %get3A_7 = vector.load %arg1[%get3A_4, %get3A_5, %get3A_6] : memref<2x1000x80xf32, #tpu.memory_space<vmem>>, vector<1x1000x80xf32>
    %get3A_8 = vector.shape_cast %get3A_7 : vector<1x1000x80xf32> to vector<1000x80xf32>
    %add3A = arith.addf %get3A_3, %get3A_8 : vector<1000x80xf32>
    %slice3A = vector.extract_strided_slice %add3A {offsets = [0, 0], sizes = [1000, 64], strides = [1, 1]} : vector<1000x80xf32> to vector<1000x64xf32>
    %slice3A_9 = vector.extract_strided_slice %add3A {offsets = [0, 64], sizes = [1000, 1], strides = [1, 1]} : vector<1000x80xf32> to vector<1000x1xf32>
    %add3A_10 = arith.constant 1.000000e-16 : f32
    %add3A_11 = vector.broadcast %add3A_10 : f32 to vector<1000x1xf32>
    %add3A_12 = arith.addf %slice3A_9, %add3A_11 : vector<1000x1xf32>
    %div3A = vector.broadcast %add3A_12 : vector<1000x1xf32> to vector<1000x64xf32>
    %div3A_13 = arith.divf %slice3A, %div3A : vector<1000x64xf32>
    %get3A_14 = arith.constant 0 : index
    %get3A_15 = arith.constant 0 : index
    %get3A_16 = vector.load %arg2[%get3A_14, %get3A_15] : memref<1x64xf32, #tpu.memory_space<vmem>>, vector<1x64xf32>
    %add3A_17 = vector.broadcast %get3A_16 : vector<1x64xf32> to vector<1000x64xf32>
    %add3A_18 = arith.addf %div3A_13, %add3A_17 : vector<1000x64xf32>
    %reduce_max3A = arith.constant dense<0xFF800000> : vector<1000xf32>
    %reduce_max3A_19 = vector.multi_reduction <maximumf>, %add3A_18, %reduce_max3A [1] : vector<1000x64xf32> to vector<1000xf32>
    %broadcast_in_dim3A = vector.shape_cast %reduce_max3A_19 : vector<1000xf32> to vector<1000x1xf32>
    %sub3A = vector.broadcast %broadcast_in_dim3A : vector<1000x1xf32> to vector<1000x64xf32>
    %sub3A_20 = arith.subf %add3A_18, %sub3A : vector<1000x64xf32>
    %exp3A = math.exp %sub3A_20 : vector<1000x64xf32>
    %reduce_sum3A = arith.constant dense<0.000000e+00> : vector<1000xf32>
    %reduce_sum3A_21 = vector.multi_reduction <add>, %exp3A, %reduce_sum3A [1] : vector<1000x64xf32> to vector<1000xf32>
    %broadcast_in_dim3A_22 = vector.shape_cast %reduce_sum3A_21 : vector<1000xf32> to vector<1000x1xf32>
    %log3A = math.log %broadcast_in_dim3A_22 : vector<1000x1xf32>
    %sub3A_23 = vector.broadcast %log3A : vector<1000x1xf32> to vector<1000x64xf32>
    %sub3A_24 = arith.subf %sub3A_20, %sub3A_23 : vector<1000x64xf32>
    %swap3A = arith.constant 0 : index
    %swap3A_25 = arith.constant 0 : index
    %swap3A_26 = vector.load %arg3[%swap3A, %swap3A_25] : memref<1000x64xf32, #tpu.memory_space<vmem>>, vector<1000x64xf32>
    tpu.vector_store %arg3[%swap3A, %swap3A_25], %sub3A_24 {strides = array<i32>} : memref<1000x64xf32, #tpu.memory_space<vmem>>, vector<1000x64xf32>,
    return
  }
  func.func @transform_0(%arg0: i32) -> (i32, i32, i32) {
    %c0_i32 = arith.constant 0 : i32
    %c0_i32_0 = arith.constant 0 : i32
    %c0_i32_1 = arith.constant 0 : i32
    return %c0_i32, %arg0, %c0_i32_0 : i32, i32, i32
  }
  func.func @transform_1(%arg0: i32) -> (i32, i32) {
    %c0_i32 = arith.constant 0 : i32
    %c0_i32_0 = arith.constant 0 : i32
    %c0_i32_1 = arith.constant 0 : i32
    return %c0_i32, %c0_i32_0 : i32, i32
  }
  func.func @transform_2(%arg0: i32) -> (i32, i32) {
    %c0_i32 = arith.constant 0 : i32
    %c0_i32_0 = arith.constant 0 : i32
    return %arg0, %c0_i32 : i32, i32
  }
}

</mosaic_0001>

<sc_bundles>
// kernel: kernel.10.cloned.1.call-start
scs
__scs_entry_jumppad:
0x0: {  	(pc) =	sbr.rel $0x88, $3  }
0x1: {  	(tag) =	ssettag $0x0;
	lr =	simm.s32 $0x1  }
0x2: {  	[smem:$0x3F97] =	sst lr;
	_ =	strace $0xD0000000  }
0x3: {  	_ = 	snop  }
0x4: {  	_ = 	snop  }
0x5: {  	_ = 	snop  }
0x6: {  	_ = 	snop  }
0x7: {  	_ = 	snop  }
__scs_overlays_trampoline_lowered:
0x8: {  	[smem:$0x3FA6] =	sst s0  }
0x9: {  	[smem:$0x3FA7] =	sst s1  }
0xa: {  	[smem:$0x3FA8] =	sst s2  }
0xb: {  	[smem:$0x3FA9] =	sst s3  }
0xc: {  	[smem:$0x3FAA] =	sst s4  }
0xd: {  	[smem:$0x3FAB] =	sst s5  }
0xe: {  	[smem:$0x3FAC] =	sst s6  }
0xf: {  	[smem:$0x3FAD] =	sst s7  }
0x10: {  	[smem:$0x3FAE] =	sst s8  }
0x11: {  	[smem:$0x3FAF] =	sst s9;
	s0 =	simm.s32 @!p0 $0x0  }
0x12: {  	s1 =	sld [smem:$0x3F95];
	s0 =	simm.s32 @p0 $0x1  }
0x13: {  	[smem:$0x3FB0] =	sst s0;
	s0 =	simm.s32 @!p1 $0x0  }
0x14: {  	s2 =	sld [smem:$0x3F94];
	s0 =	simm.s32 @p1 $0x1  }
0x15: {  	[smem:$0x3FB1] =	sst s0;
	s0 =	simm.s32 @!p2 $0x0  }
0x16: {  	s3 =	sld [smem:$0x3FDB];
	s0 =	simm.s32 @p2 $0x1  }
0x17: {  	s4 =	simm.s32 $0x1BF5;
	[smem:$0x3FB3] =	sst s0  }
0x18: {  	s0 =	sld [smem:$0x3F96];
	_ =	swait.ge [sflag:s4], $0x0  }
0x19: {  	s7 =	sld [smem:$0x3F97]  }
0x1a: {  	s8 =	sadd.s32 $0xFFFFE003, lr  }
0x1b: {  	s9 =	sadd.s32 $0xFFFFFEF7, lr;
	s5 =	simm.s32 $0xFFFFFFFF;
	p2 =	slt.u32 s8, $0xFFFFF086  }
0x1c: {  	p1 =	slt.u32 s9, $0xF7A;
	s5 =	simm.s32 @!p2 $0x0  }
0x1d: {  	s5 =	simm.s32 @p1 $0x1;
	p0 =	seq.s32 s7, s2  }
0x1e: {  	s7 =	smul.u32 @!p0 $0xF7A, s2;
	p2 =	seq.s32 @!p0 s5, $0x0  }
0x1f: {  	s9 =	smul.u32 $0xF7A, s1;
	s8 =	simm.s32 @!p0 $0x1BF5;
	p2 =	por !p2, p0  }
0x20: {  	[sflag:s8] =	ssyncset.s32 @!p0 $0xFFFFF086;
	s6 =	sadd.s32 @!p0 s3, s7;
	s7 =	simm.s32 @!p0 $0x108  }
0x21: {  	s3 =	sadd.s32 s3, s9;
	s6 =	sadd.s32 @!p0 $0x88, s6;
	s7 =	simm.s32 @p2 $0x1082  }
0x22: {  	[simem:s7], [sflag:s8] =	dma.local @!p0 [hbm:s6], $0xF7A  }
0x23: {  	s9 =	sor.u32 $0xD0000000, s2;
	s6 =	simm.s32 $0x108;
	_ =	swait.ge @!p0 [sflag:s8], $0x0  }
0x24: {  	s3 =	sadd.s32 $0x88, s3;
	s6 =	simm.s32 @!p1 $0x1082;
	[sflag:s4] =	ssyncset.s32 $0xFFFFF086  }
0x25: {  	[simem:s6], [sflag:s4] =	dma.local [hbm:s3], $0xF7A  }
0x26: {  	[smem:$0x3F97] =	sst s1;
	(tag) =	ssettag s2;
	_ =	strace s9  }
0x27: {  	s1 =	sld [smem:$0x3FA7]  }
0x28: {  	s2 =	sld [smem:$0x3FA8]  }
0x29: {  	s4 =	sld [smem:$0x3FAA]  }
0x2a: {  	p0 =	seq.s32 s5, $0x0;
	s5 =	sld [smem:$0x3FAB]  }
0x2b: {  	s6 =	sld [smem:$0x3FAC]  }
0x2c: {  	s7 =	sld [smem:$0x3FAD]  }
0x2d: {  	s3 =	simm.s32 $0x108;
	s8 =	sld [smem:$0x3FAE]  }
0x2e: {  	s3 =	simm.s32 @!p0 $0x1082;
	s9 =	sld [smem:$0x3FAF]  }
0x2f: {  	lr =	sadd.s32 s0, s3;
	s0 =	sld [smem:$0x3FA6]  }
0x30: {  	s3 =	sld [smem:$0x3FA9]  }
0x31: {  	[smem:$0x3FB2] =	sst s10  }
0x32: {  	s10 =	sld [smem:$0x3FB0];
	_ =	sdelay $0x3  }
0x33: {  	p0 =	seq.s32 s10, $0x1;
	s10 =	sld [smem:$0x3FB2];
	_ =	sdelay $0x3  }
0x34: {  	[smem:$0x3FB2] =	sst s10  }
0x35: {  	s10 =	sld [smem:$0x3FB1];
	_ =	sdelay $0x3  }
0x36: {  	p1 =	seq.s32 s10, $0x1;
	s10 =	sld [smem:$0x3FB2];
	_ =	sdelay $0x3  }
0x37: {  	[smem:$0x3FB2] =	sst s10  }
0x38: {  	s10 =	sld [smem:$0x3FB3]  }
0x39: {  	_ = 	snop;
	(pc) =	sbr.ind lr, $3  }
0x3a: {  	_ = 	snop  }
0x3b: {  	_ = 	snop  }
0x3c: {  	p2 =	seq.s32 s10, $0x1;
	s10 =	sld [smem:$0x3FB2]  }
0x3d: {  	_ =	shalt  }
0x3e: {  	_ =	shalt  }
0x3f: {  	_ =	shalt  }
0x40: {  	_ =	shalt  }
0x41: {  	_ =	shalt  }
0x42: {  	_ =	shalt  }
0x43: {  	_ =	shalt  }
0x44: {  	_ =	shalt  }
0x45: {  	_ =	shalt  }
0x46: {  	_ =	shalt  }
0x47: {  	_ =	shalt  }
0x48: {  	_ =	shalt  }
0x49: {  	_ =	shalt  }
0x4a: {  	_ =	shalt  }
0x4b: {  	_ =	shalt  }
0x4c: {  	_ =	shalt  }
0x4d: {  	_ =	shalt  }
0x4e: {  	_ =	shalt  }
0x4f: {  	_ =	shalt  }
0x50: {  	_ =	shalt  }
0x51: {  	_ =	shalt  }
0x52: {  	_ =	shalt  }
0x53: {  	_ =	shalt  }
0x54: {  	_ =	shalt  }
0x55: {  	_ =	shalt  }
0x56: {  	_ =	shalt  }
0x57: {  	_ =	shalt  }
0x58: {  	_ =	shalt  }
0x59: {  	_ =	shalt  }
0x5a: {  	_ =	shalt  }
0x5b: {  	_ =	shalt  }
0x5c: {  	_ =	shalt  }
0x5d: {  	_ =	shalt  }
0x5e: {  	_ =	shalt  }
0x5f: {  	_ =	shalt  }
0x60: {  	_ =	shalt  }
0x61: {  	_ =	shalt  }
0x62: {  	_ =	shalt  }
0x63: {  	_ =	shalt  }
0x64: {  	_ =	shalt  }
0x65: {  	_ =	shalt  }
0x66: {  	_ =	shalt  }
0x67: {  	_ =	shalt  }
0x68: {  	_ =	shalt  }
0x69: {  	_ =	shalt  }
0x6a: {  	_ =	shalt  }
0x6b: {  	_ =	shalt  }
0x6c: {  	_ =	shalt  }
0x6d: {  	_ =	shalt  }
0x6e: {  	_ =	shalt  }
0x6f: {  	_ =	shalt  }
0x70: {  	_ =	shalt  }
0x71: {  	_ =	shalt  }
0x72: {  	_ =	shalt  }
0x73: {  	_ =	shalt  }
0x74: {  	_ =	shalt  }
0x75: {  	_ =	shalt  }
0x76: {  	_ =	shalt  }
0x77: {  	_ =	shalt  }
0x78: {  	_ =	shalt  }
0x79: {  	_ =	shalt  }
0x7a: {  	_ =	shalt  }
0x7b: {  	_ =	shalt  }
0x7c: {  	_ =	shalt  }
0x7d: {  	_ =	shalt  }
0x7e: {  	_ =	shalt  }
0x7f: {  	_ =	shalt  }
0x80: {  	_ =	shalt  }
0x81: {  	_ =	shalt  }
0x82: {  	_ =	shalt  }
0x83: {  	_ =	shalt  }
0x84: {  	_ =	shalt  }
0x85: {  	_ =	shalt  }
0x86: {  	_ =	shalt  }
0x87: {  	_ =	shalt  }
.Lfunc_end0:
.L_simem_size_0:
called_computation.1_lowered:
.L_overlay_start_0:
0x88: {  	s2 =	sld [smem:$0x3FD9]  }
0x89: {  	s3 =	sld [smem:$0x3FFE];
	_ =	sdelay $0x1  }
0x8a: {  	s1 =	srdreg.scid  }
0x8b: {  	s0 =	sand.u32 $0x1, s1  }
0x8c: {  	s17 =	sshll.u32 s0, $0xA;
	s2 =	sadd.s32 s3, s2  }
0x8d: {  	s2 =	sadd.s32 s2, s17  }
0x8e: {  	[smem:$0x3FBE] =	sst s2  }
0x8f: {  	_ = 	snop  }
0x90: {  	s2 =	sld [smem:$0x3FD0];
	(tm) =	ssettm $0x1  }
0x91: {  	s18 =	sld [smem:$0x3FFB];
	_ =	sdelay $0x3  }
0x92: {  	_ =	strace s18  }
0x93: {  	s3 =	sld [smem:$0x3FFC];
	_ =	sdelay $0x3  }
0x94: {  	_ =	strace s3  }
0x95: {  	s3 =	sld [smem:$0x3FFD];
	_ =	sdelay $0x3  }
0x96: {  	_ =	strace s3  }
0x97: {  	_ =	strace $0x8FFFFFFF  }
0x98: {  	s19 =	sld [smem:$0x3FDB];
	_ =	sdelay $0x1  }
0x99: {  	s4 =	simm.s32 $_scs_section_size  }
0x9a: {  	s5 =	simm.s32 $_size__tile_overlayer_lowered;
	s6 =	simm.s32 $_tile_overlayer_lowered  }
0x9b: {  	s22 =	simm.s32 $0x1BFF;
	s21 =	sshll.u32 s6, $0x1;
	s3 =	sadd.s32 s4, s19  }
0x9c: {  	s7 =	simm.s32 $0x0;
	s20 =	sshll.u32 s5, $0x1;
	s5 =	sadd.s32 s21, s3  }
0x9d: {  	[timem:s7], [sflag:s22] =	dma.local [hbm:s5], s20  }
0x9e: {  	_ =	swait.ge [sflag:s22], s20  }
0x9f: {  	s4 =	ssub.s32 $0x0, s20;
	[sflag:s22] =	ssyncset.done $0x0  }
0xa0: {  	[sflag:s22] =	ssyncadd.s32 s4;
	_ =	sdelay $0x1  }
0xa1: {  	s23 =	simm.s32 $0x1B8B  }
0xa2: {  	_ =	swait.ge [sflag:s23], $0x1  }
0xa3: {  	[sflag:s23] =	ssyncset.done $0x0  }
0xa4: {  	s25 =	simm.s32 $0x1B8E;
	s24 =	sld [smem:$0x3FFE];
	[sflag:s23] =	ssyncadd.s32 $0xFFFFFFFF  }
0xa5: {  	s26 =	simm.s32 $execute0_lowered;
	[smem:$0x3FD2] =	sst s25  }
0xa6: {  	s5 =	sshll.u32 s26, $0x1;
	_ =	strace $0x80000049;
	[dreg:$0x1] =	wrdreg $0xFFFFFFFF  }
0xa7: {  	s28 =	simm.s32 $_size_execute0_lowered;
	s3 =	sadd.s32 s3, s5;
	[dreg:$0x0] =	wrdreg $0x0  }
0xa8: {  	s5 =	sshll.u32 s28, $0x1;
	[dreg:$0x2] =	wrdreg s3  }
0xa9: {  	[dreg:$0x3] =	wrdreg s5  }
0xaa: {  	[dreg:$0x4] =	wrdreg $0xC0  }
0xab: {  	_ =	task [dreg:s7], $0x5FFFF  }
0xac: {  	[dreg:$0x1] =	wrdreg $0xFFFFFFFF  }
0xad: {  	[dreg:$0x0] =	wrdreg $0x60  }
0xae: {  	[dreg:$0x2] =	wrdreg s24  }
0xaf: {  	[dreg:$0x3] =	wrdreg s2  }
0xb0: {  	[dreg:$0x4] =	wrdreg $0xC1000  }
0xb1: {  	[dreg:$0x5] =	wrdreg $0x9  }
0xb2: {  	_ =	task.clear_ibuf [dreg:s7], $0x6FFFF;
	_ =	strace $0x90000049  }
0xb3: {  	s29 =	simm.s32 $0x9;
	_ =	strace $0x8000004B  }
0xb4: {  	_ =	swait.ge [sflag:s29], $0x1  }
0xb5: {  	[sflag:s29] =	ssyncadd.s32 $0xFFFFFFFF  }
0xb6: {  	_ =	strace $0x9000004B  }
0xb7: {  	_ =	sfence  }
0xb8: {  	s30 =	sld [smem:$0x0];
	_ =	sdelay $0x2  }
0xb9: {  	s31 =	sshll.u32 s1, $0xD;
	s1 =	sshrl.u32 s1, $0x2  }
0xba: {  	s3 =	sand.u32 $0x4000, s31;
	s1 =	sadd.s32 s1, s30  }
0xbb: {  	s0 =	sor.u32 s3, s0;
	s1 =	sshll.u32 s1, $0x11  }
0xbc: {  	s0 =	sor.u32 s1, s0  }
0xbd: {  	s0 =	sadd.s32 $0x8F2B, s0  }
0xbe: {  	[sflag:s0] =	ssyncadd.remote.s32 $0x1  }
0xbf: {  	_ =	sfence.sel $0xFFFF  }
0xc0: {  	[dreg:$0x0] =	wrdreg $0xFFFFFFFF;
	(pc) =	sbr.abs _section_cstart, $3  }
0xc1: {  	[dreg:$0x1] =	wrdreg $0xFFFFFFFF  }
0xc2: {  	_ =	task.clear_ibuf [dreg:s7], $0x2FFFF;
	_ =	strace $0x9FFFFFFF  }
0xc3: {  	(tm) =	ssettm $0x7FFFFFFF  }
tec
execute0_lowered:
.L_overlay_start_1:
0x0: {  	(tag) =	ssettag $0x1  }
0x1: {  	s0 =	rddreg [dreg:$0x0]  }
0x2: {  	s1 =	rddreg [dreg:$0x1]  }
0x3: {  	s2 =	rddreg [dreg:$0x2];
	s3 =	simm.s32 $0x0;
	s9 =	stileid.u32  }
0x4: {  	s5 =	srdreg.scid;
	s15 =	simm.s32 $0x3;
	s17 =	simm.s32 $0x4  }
0x5: {  	s18 =	simm.s32 $0x80;
	s19 =	simm.s32 $0x100;
	s20 =	simm.s32 $0x4100  }
0x6: {  	s21 =	simm.s32 $0x1;
	s22 =	simm.s32 $0x2;
	s23 =	simm.s32 $0x8100  }
0x7: {  	s24 =	simm.s32 $0x0;
	[smem:$0x7FF] =	sst s3;
	s4 =	smul.u32 $0x2700, s9  }
0x8: {  	s5 =	sand.u32 $0x1, s5;
	s6 =	sadd.s32 $0xB400, s0;
	s11 =	smul.u32 $0x4E000, s9  }
0x9: {  	s7 =	sadd.s32 $0x1600, s0;
	s31 =	sshll.u32 s9, $0x6;
	s16 =	sadd.s32 $0x138000, s2  }
0xa: {  	p0 =	sne.s32 s9, $0x0;
	_ =	strace $0x8000004A;
	s8 =	smul.u32 $0x27100, s5  }
0xb: {  	s10 =	ssub.s32 $0x2, s5;
	s16 =	sshrl.u32 @!p0 s16, $0x3;
	s12 =	sadd.s32 s4, s0  }
.Ltmp0:
0xc: {  	s13 =	sshrl.u32 s10, $0x1;
	s30 =	sshrl.u32 s11, $0x2;
	(pc) =	sbr.rel .LBB2_1-.Ltmp0, $4  }
0xd: {  	s14 =	sadd.s32 s8, s0;
	s13 =	ssub.s32 s10, s13;
	s12 =	sadd.s32 $0x32600, s12  }
0xe: {  	s8 =	sshll.u32 s9, $0x1;
	s0 =	sadd.s32 $0x59600, s0;
	[dreg:$0x4] =	wrdreg s12  }
0xf: {  	s11 =	sadd.s32 s30, s2;
	s10 =	sor.u32 $0x1C03, s31;
	[dreg:$0x5] =	wrdreg s0  }
0x10: {  	s12 =	sadd.s32 $0x59800, s14;
	s13 =	smax.u32 s13, $0x1;
	s14 =	sshrl.u32 s11, $0x3  }
.LBB2_7:
0x11: {  	[bflag:$0x0] =	sbarrier.arrive $0xFFFF;
	s0 =	sadd.s32 s4, s12  }
0x12: {  	[hbm:s0], [sflag:s10] =	dma.local [spmem:s14], $0x2700  }
0x13: {  	_ =	swait.ge [sflag:s15], $0x2700  }
0x14: {  	s24 =	sadd.s32 $0x1, s24;
	[sflag:s15] =	ssyncset.done $0x0  }
0x15: {  	s0 =	sadd.s32 @!p0 $0x27000, s12;
	p1 =	sne.s32 s24, s13;
	[sflag:s15] =	ssyncadd.s32 $0xFFFFD900  }
0x16: {  	[hbm:s0], [sflag:s10] =	dma.local @!p0 [spmem:s16], $0x100  }
.Ltmp1:
0x17: {  	_ = 	snop;
	(pc) =	sbr.rel @!p1 .LBB2_8-.Ltmp1, $4  }
0x18: {  	s0 =	simm.s32 @!p0 $0x3  }
0x19: {  	_ =	swait.ge @!p0 [sflag:s0], $0x100  }
0x1a: {  	[sflag:s0] =	ssyncset.done @!p0 $0x0  }
0x1b: {  	[sflag:s0] =	ssyncadd.s32 @!p0 $0xFFFFFF00  }
.LBB2_1:
0x1c: {  	s0 =	rddreg [dreg:$0x4]  }
0x1d: {  	[spmem:s14], [sflag:s10] =	dma.local [hbm:s0], $0x2700  }
0x1e: {  	_ =	swait.ge [sflag:s15], $0x2700  }
0x1f: {  	[sflag:s15] =	ssyncset.done $0x0  }
0x20: {  	s0 =	rddreg [dreg:$0x5];
	[sflag:s15] =	ssyncadd.s32 $0xFFFFD900  }
0x21: {  	[spmem:s16], [sflag:s10] =	dma.local @!p0 [hbm:s0], $0x100  }
0x22: {  	s0 =	simm.s32 @!p0 $0x3  }
.Ltmp2:
0x23: {  	_ =	swait.ge @!p0 [sflag:s0], $0x100;
	(pc) =	sbr.rel .LBB2_2-.Ltmp2, $4  }
0x24: {  	[sflag:s0] =	ssyncset.done @!p0 $0x0  }
0x25: {  	[sflag:s0] =	ssyncadd.s32 @!p0 $0xFFFFFF00  }
0x26: {  	[bflag:$0x0] =	sbarrier.arrive $0xFFFF  }
0x27: {  	s25 =	simm.s32 $0x0  }
.LBB2_6:
0x28: {  	s25 =	sadd.s32 $0x1, s25  }
0x29: {  	p1 =	sne.s32 s25, $0x4F  }
.Ltmp3:
0x2a: {  	_ = 	snop;
	(pc) =	sbr.rel @!p1 .LBB2_7-.Ltmp3, $1  }
0x2b: {  	_ =	sdelay $0x3  }
.LBB2_2:
0x2c: {  	s0 =	sshll.u32 s25, $0x5  }
0x2d: {  	s0 =	sor.u32 s8, s0  }
0x2e: {  	p1 =	sgt.u32 s0, $0x9C3  }
.Ltmp4:
0x2f: {  	_ = 	snop;
	(pc) =	sbr.rel @p1 .LBB2_6-.Ltmp4, $1  }
0x30: {  	_ =	sdelay $0x3  }
0x31: {  	s0 =	sor.u32 s5, s0  }
0x32: {  	s0 =	sshll.u32 s0, $0x4  }
0x33: {  	s9 =	sadd.s32 s7, s0  }
0x34: {  	[tilespmem:s3], [sflag:$0x4] =	stream.linear.gather [hbm4b:s9+s3], $0x80, $0x38;
	[tilespmem:$0x18450] =	vst v63  }
0x35: {  	_ =	swait.ge [sflag:s17], $0x80  }
0x36: {  	[sflag:s17] =	ssyncset.done $0x0  }
0x37: {  	s0 =	sadd.s32 s1, s0;
	[sflag:s17] =	ssyncadd.s32 $0xFFFFFF80  }
0x38: {  	[tilespmem:s18], [sflag:$0x4] =	stream.linear.gather [hbm4b:s0+s3], $0x80, $0x38;
	[tilespmem:$0x18450] =	vst v63  }
0x39: {  	_ =	swait.ge [sflag:s17], $0x80  }
0x3a: {  	[sflag:s17] =	ssyncset.done $0x0  }
0x3b: {  	[sflag:s17] =	ssyncadd.s32 $0xFFFFFF80  }
0x3c: {  	[tilespmem:s19], [sflag:$0x1] =	stream.indirect.gather [hbm4b:s6+s18], $0x80, s3, s18, $0xb8;
	[tilespmem:$0x18450] =	vst v63  }
0x3d: {  	_ = 	snop  }
0x3e: {  	[tilespmem:s20], [sflag:$0x2] =	stream.indirect.gather [hbm4b:s6+s18], $0x80, s18, s18, $0xb8;
	[tilespmem:$0x18450] =	vst v63  }
0x3f: {  	_ =	swait.ge [sflag:s21], $0x4000  }
0x40: {  	[sflag:s21] =	ssyncset.done $0x0  }
0x41: {  	[sflag:s21] =	ssyncadd.s32 $0xFFFFC000  }
0x42: {  	_ =	swait.ge [sflag:s22], $0x4000  }
0x43: {  	[sflag:s22] =	ssyncset.done $0x0  }
0x44: {  	s9 =	simm.s32 $0x300;
	[sflag:s22] =	ssyncadd.s32 $0xFFFFC000  }
0x45: {  	s26 =	simm.s32 $0x4350;
	v0 =	vld [tilespmem:s9+$0x1C0]  }
0x46: {  	v1 =	vld [tilespmem:s26+$0x180]  }
0x47: {  	v2 =	vld [tilespmem:s26+$0xFFFFFE00]  }
0x48: {  	v3 =	vld [tilespmem:s9+$0xFFFFFEC0]  }
0x49: {  	v4 =	vld [tilespmem:s26+$0xFFFFFE80]  }
0x4a: {  	v5 =	vld [tilespmem:s9+$0xFFFFFF40]  }
0x4b: {  	v6 =	vld [tilespmem:s26+$0xFFFFFF00]  }
0x4c: {  	v7 =	vld [tilespmem:s26+$0xFFFFFF80]  }
0x4d: {  	v9 =	vld [tilespmem:s9+$0x40]  }
0x4e: {  	v10 =	vld [tilespmem:s26+$0x0]  }
0x4f: {  	s28 =	simm.s32 $0x700;
	v11 =	vld [tilespmem:s9+$0x140]  }
0x50: {  	v16 =	vld [tilespmem:s28+$0x1C0];
	v0 =	vadd.f32 v1, v0  }
0x51: {  	s11 =	simm.s32 $0x4750;
	v1 =	vld [tilespmem:s9+$0xFFFFFFC0]  }
0x52: {  	v17 =	vld [tilespmem:s11+$0x180];
	v8 =	vmul.f32 $2.000000030e-01, v0  }
0x53: {  	v18 =	vld [tilespmem:s11+$0xFFFFFE00];
	v3 =	vadd.f32 v4, v3  }
0x54: {  	v4 =	vld [tilespmem:s9+$0xC0];
	v0 =	vmax.f32 v0, v8  }
0x55: {  	v5 =	vadd.f32 v6, v5;
	v6 =	vld [tilespmem:s26+$0x80];
	v8 =	vmul.f32 $2.000000030e-01, v3;
	v0 =	vmul.f32 $1.442695020e+00, v0  }
0x56: {  	v1 =	vadd.f32 v7, v1;
	v7 =	vld [tilespmem:s26+$0x100]  }
0x57: {  	v3 =	vmax.f32 v3, v8;
	v8 =	vld [tilespmem:s9+$0xFFFFFE40];
	(erf) = vpow2.f32 v0;
	v0 =	vmul.f32 $2.000000030e-01, v5  }
0x58: {  	v19 =	vld [tilespmem:s28+$0xFFFFFEC0];
	v9 =	vadd.f32 v10, v9  }
0x59: {  	v20 =	vld [tilespmem:s11+$0xFFFFFE80];
	v3 =	vmul.f32 $1.442695020e+00, v3;
	v0 =	vmax.f32 v5, v0;
	v5 =	vmul.f32 $2.000000030e-01, v1  }
0x5a: {  	v21 =	vld [tilespmem:s28+$0xFFFFFF40];
	v4 =	vadd.f32 v6, v4  }
0x5b: {  	v22 =	vld [tilespmem:s11+$0xFFFFFF00];
	(erf) = vpow2.f32 v3;
	v1 =	vmax.f32 v1, v5;
	v5 =	vmul.f32 $2.000000030e-01, v9  }
0x5c: {  	v23 =	vld [tilespmem:s11+$0xFFFFFF80];
	v0 =	vmul.f32 $1.442695020e+00, v0;
	v6 =	vadd.f32 v7, v11;
	v2 =	vadd.f32 v2, v8  }
0x5d: {  	v25 =	vld [tilespmem:s28+$0x40];
	v1 =	vmul.f32 $1.442695020e+00, v1;
	v3 =	vmax.f32 v9, v5;
	v5 =	vmul.f32 $2.000000030e-01, v4  }
0x5e: {  	s30 =	simm.s32 $0xB00;
	v26 =	vld [tilespmem:s11+$0x80];
	v8 =	vmul.f32 $2.000000030e-01, v6;
	(erf) = vpow2.f32 v0  }
0x5f: {  	s31 =	simm.s32 $0x4B50;
	v32 =	vld [tilespmem:s30+$0x1C0];
	v7 =	vmul.f32 $1.442695020e+00, v3;
	v0 =	vmax.f32 v4, v5;
	v4 =	vmul.f32 $2.000000030e-01, v2  }
0x60: {  	v33 =	vld [tilespmem:s31+$0x180];
	v3 =	vpop (erf);
	(erf) = vpow2.f32 v1;
	v0 =	vmul.f32 $1.442695020e+00, v0;
	v1 =	vmax.f32 v6, v8  }
0x61: {  	v34 =	vld [tilespmem:s31+$0xFFFFFE00];
	s26 =	simm.s32 $0x8300;
	(erf) = vpow2.f32 v7;
	v2 =	vmax.f32 v2, v4;
	v1 =	vmul.f32 $1.442695020e+00, v1  }
0x62: {  	v35 =	vld [tilespmem:s30+$0xFFFFFEC0];
	[tilespmem:s26+$0x1C0] =	vst v3;
	(erf) = vpow2.f32 v0;
	v0 =	vmul.f32 $1.442695020e+00, v2  }
0x63: {  	v5 =	vld [tilespmem:s9+$0x180];
	(erf) = vpow2.f32 v1  }
0x64: {  	v36 =	vld [tilespmem:s31+$0xFFFFFE80];
	(erf) = vpow2.f32 v0  }
0x65: {  	v37 =	vld [tilespmem:s30+$0xFFFFFF40]  }
0x66: {  	v53 =	vld [tilespmem:s30+$0xFFFFFFC0]  }
0x67: {  	v54 =	vld [tilespmem:s30+$0x40];
	v4 =	vpop (erf)  }
0x68: {  	v16 =	vadd.f32 v17, v16;
	v17 =	vld [tilespmem:s28+$0xFFFFFFC0];
	[tilespmem:s26+$0xFFFFFEC0] =	vst v4;
	v6 =	vpop (erf);
	v0 =	vmul.f32 v3, v5  }
0x69: {  	v1 =	vld [tilespmem:s9+$0xFFFFFE80];
	[tilespmem:s26+$0xFFFFFF40] =	vst v6;
	v5 =	vpop (erf)  }
0x6a: {  	v2 =	vld [tilespmem:s9+$0xFFFFFF00];
	[tilespmem:s26+$0x180] =	vst v0;
	v11 =	vpop (erf)  }
0x6b: {  	v0 =	vld [tilespmem:s9+$0x190];
	[tilespmem:s26+$0xFFFFFFC0] =	vst v5;
	v10 =	vpop (erf)  }
0x6c: {  	v8 =	vld [tilespmem:s9+$0xFFFFFF80];
	[tilespmem:s26+$0x40] =	vst v11;
	v9 =	vpop (erf)  }
0x6d: {  	v12 =	vld [tilespmem:s9+$0x0];
	[tilespmem:s26+$0x140] =	vst v9;
	v7 =	vpop (erf)  }
0x6e: {  	[tilespmem:s26+$0xFFFFFE40] =	vst v7;
	v14 =	vld [tilespmem:s9+$0x100]  }
0x6f: {  	v1 =	vmul.f32 v4, v1;
	[tilespmem:s26+$0xC0] =	vst v10;
	v15 =	vld [tilespmem:s9+$0xFFFFFE00]  }
0x70: {  	v13 =	vld [tilespmem:s9+$0x80];
	v0 =	vmul.f32 v3, v0  }
0x71: {  	v19 =	vadd.f32 v20, v19;
	v20 =	vld [tilespmem:s11+$0x0];
	v2 =	vmul.f32 v6, v2;
	[tilespmem:s26+$0xFFFFFE80] =	vst v1  }
0x72: {  	v21 =	vadd.f32 v22, v21;
	v22 =	vld [tilespmem:s28+$0xC0];
	[tilespmem:s26+$0x190] =	vst v0;
	v0 =	vmul.f32 v11, v12  }
0x73: {  	v24 =	vmul.f32 $2.000000030e-01, v16;
	[tilespmem:s26+$0xFFFFFF00] =	vst v2;
	v1 =	vmul.f32 v5, v8;
	v8 =	vld [tilespmem:s9+$0xFFFFFE90]  }
0x74: {  	v2 =	vld [tilespmem:s9+$0x1A0];
	[tilespmem:s26+$0x0] =	vst v0;
	v0 =	vmul.f32 v9, v14;
	v14 =	vmul.f32 v7, v15  }
0x75: {  	v12 =	vmul.f32 v10, v13;
	v13 =	vld [tilespmem:s9+$0xFFFFFF10]  }
0x76: {  	v16 =	vmax.f32 v16, v24;
	v15 =	vld [tilespmem:s9+$0x10];
	[tilespmem:s26+$0xFFFFFE00] =	vst v14  }
0x77: {  	v24 =	vmul.f32 $2.000000030e-01, v19;
	v16 =	vmul.f32 $1.442695020e+00, v16;
	[tilespmem:s26+$0xFFFFFF80] =	vst v1;
	v14 =	vld [tilespmem:s9+$0xFFFFFE10]  }
0x78: {  	v27 =	vmul.f32 $2.000000030e-01, v21;
	v17 =	vadd.f32 v23, v17;
	v23 =	vld [tilespmem:s28+$0x140];
	[tilespmem:s26+$0x80] =	vst v12;
	v8 =	vmul.f32 v4, v8  }
0x79: {  	(erf) = vpow2.f32 v16;
	v16 =	vmax.f32 v19, v24;
	v19 =	vld [tilespmem:s11+$0x100];
	[tilespmem:s26+$0x100] =	vst v0;
	v2 =	vmul.f32 v2, v3  }
0x7a: {  	v1 =	vld [tilespmem:s9+$0xFFFFFF90];
	v13 =	vmul.f32 v6, v13;
	[tilespmem:s26+$0xFFFFFE90] =	vst v8  }
0x7b: {  	v21 =	vmax.f32 v21, v27;
	v27 =	vmul.f32 $2.000000030e-01, v17;
	v24 =	vld [tilespmem:s28+$0xFFFFFE40];
	v15 =	vmul.f32 v11, v15;
	[tilespmem:s26+$0x1A0] =	vst v2  }
0x7c: {  	v20 =	vadd.f32 v20, v25;
	v12 =	vld [tilespmem:s9+$0x90];
	v8 =	vmul.f32 $1.442695020e+00, v16;
	[tilespmem:s26+$0xFFFFFF10] =	vst v13;
	v14 =	vmul.f32 v7, v14  }
0x7d: {  	v0 =	vld [tilespmem:s9+$0x110];
	v16 =	vmul.f32 $1.442695020e+00, v21;
	v21 =	vadd.f32 v26, v22;
	[tilespmem:s26+$0x10] =	vst v15  }
0x7e: {  	(erf) = vpow2.f32 v8;
	v13 =	vld [tilespmem:s9+$0x1B0];
	[tilespmem:s26+$0xFFFFFE10] =	vst v14;
	v14 =	vmax.f32 v17, v27;
	v17 =	vmul.f32 $2.000000030e-01, v20  }
0x7f: {  	v19 =	vadd.f32 v19, v23;
	v1 =	vmul.f32 v5, v1;
	v22 =	vld [tilespmem:s9+$0x20];
	v14 =	vmul.f32 $1.442695020e+00, v14  }
0x80: {  	v55 =	vld [tilespmem:s30+$0x140];
	(erf) = vpow2.f32 v16;
	v8 =	vmax.f32 v20, v17;
	v17 =	vmul.f32 $2.000000030e-01, v21  }
0x81: {  	v18 =	vadd.f32 v18, v24;
	v12 =	vmul.f32 v10, v12;
	[tilespmem:s26+$0xFFFFFF90] =	vst v1;
	v1 =	vld [tilespmem:s9+$0xFFFFFEA0];
	(erf) = vpow2.f32 v14  }
0x82: {  	v16 =	vmul.f32 $2.000000030e-01, v19;
	v2 =	vld [tilespmem:s9+$0xFFFFFE20];
	v20 =	vmul.f32 $1.442695020e+00, v8;
	v8 =	vmax.f32 v21, v17  }
0x83: {  	v0 =	vmul.f32 v9, v0;
	v15 =	vld [tilespmem:s9+$0xFFFFFF20];
	[tilespmem:s26+$0x90] =	vst v12;
	v14 =	vmul.f32 $2.000000030e-01, v18  }
0x84: {  	v16 =	vmax.f32 v19, v16;
	v19 =	vld [tilespmem:s9+$0xA0];
	v3 =	vmul.f32 v13, v3;
	v13 =	vmul.f32 v22, v11  }
0x85: {  	s29 =	simm.s32 $0x8700;
	v22 =	vld [tilespmem:s31+$0xFFFFFF00];
	v21 =	vmul.f32 $1.442695020e+00, v8;
	v12 =	vmax.f32 v18, v14;
	v14 =	vmul.f32 $1.442695020e+00, v16;
	v8 =	vpop (erf)  }
0x86: {  	v1 =	vmul.f32 v1, v4;
	v17 =	vld [tilespmem:s9+$0xFFFFFFA0];
	[tilespmem:s29+$0x1C0] =	vst v8  }
0x87: {  	[tilespmem:s26+$0x110] =	vst v0;
	(erf) = vpow2.f32 v20;
	v2 =	vmul.f32 v2, v7;
	v16 =	vpop (erf);
	v18 =	vld [tilespmem:s28+$0x180]  }
0x88: {  	v0 =	vmul.f32 $1.442695020e+00, v12;
	v12 =	vld [tilespmem:s9+$0x120];
	(erf) = vpow2.f32 v21;
	[tilespmem:s29+$0xFFFFFEC0] =	vst v16  }
0x89: {  	[tilespmem:s26+$0xFFFFFEA0] =	vst v1;
	(erf) = vpow2.f32 v14;
	v14 =	vpop (erf);
	v23 =	vld [tilespmem:s28+$0xFFFFFE80]  }
0x8a: {  	v21 =	vld [tilespmem:s9+$0xFFFFFEB0];
	[tilespmem:s26+$0xFFFFFE20] =	vst v2;
	v2 =	vmul.f32 v15, v6;
	(erf) = vpow2.f32 v0;
	v15 =	vpop (erf)  }
0x8b: {  	v20 =	vld [tilespmem:s9+$0xFFFFFE30];
	v17 =	vmul.f32 v17, v5;
	[tilespmem:s29+$0xFFFFFFC0] =	vst v15  }
0x8c: {  	[tilespmem:s29+$0xFFFFFF40] =	vst v14;
	v0 =	vmul.f32 v8, v18;
	v26 =	vld [tilespmem:s28+$0xFFFFFF80]  }
0x8d: {  	v24 =	vld [tilespmem:s28+$0xFFFFFF00];
	[tilespmem:s26+$0xFFFFFFA0] =	vst v17  }
0x8e: {  	v29 =	vld [tilespmem:s9+$0xFFFFFFB0];
	v23 =	vmul.f32 v16, v23;
	[tilespmem:s29+$0x180] =	vst v0  }
0x8f: {  	[tilespmem:s26+$0xFFFFFF20] =	vst v2;
	v25 =	vld [tilespmem:s28+$0x190]  }
0x90: {  	v18 =	vld [tilespmem:s9+$0xFFFFFF30];
	[tilespmem:s29+$0xFFFFFE80] =	vst v23;
	v0 =	vpop (erf)  }
0x91: {  	[tilespmem:s29+$0x40] =	vst v0;
	v2 =	vpop (erf);
	v23 =	vmul.f32 v15, v26;
	v26 =	vld [tilespmem:s28+$0xFFFFFE90]  }
0x92: {  	v27 =	vld [tilespmem:s28+$0x0];
	[tilespmem:s29+$0xC0] =	vst v2;
	v1 =	vpop (erf)  }
0x93: {  	v24 =	vmul.f32 v14, v24;
	v28 =	vld [tilespmem:s28+$0x80];
	[tilespmem:s29+$0x140] =	vst v1;
	v17 =	vpop (erf)  }
0x94: {  	[tilespmem:s29+$0xFFFFFE40] =	vst v17;
	v30 =	vld [tilespmem:s28+$0x100];
	v25 =	vmul.f32 v8, v25  }
0x95: {  	[tilespmem:s29+$0xFFFFFF00] =	vst v24;
	v31 =	vld [tilespmem:s28+$0xFFFFFE00]  }
0x96: {  	v6 =	vmul.f32 v18, v6;
	v18 =	vld [tilespmem:s31+$0xFFFFFF80];
	[tilespmem:s29+$0x190] =	vst v25  }
0x97: {  	[tilespmem:s29+$0xFFFFFF80] =	vst v23;
	v25 =	vmul.f32 v0, v27;
	v24 =	vld [tilespmem:s28+$0x1A0]  }
0x98: {  	v23 =	vld [tilespmem:s28+$0xFFFFFF90];
	v27 =	vmul.f32 v2, v28  }
0x99: {  	v28 =	vld [tilespmem:s28+$0xFFFFFF10];
	[tilespmem:s29+$0x0] =	vst v25;
	v25 =	vmul.f32 v1, v30  }
0x9a: {  	v7 =	vmul.f32 v20, v7;
	v20 =	vadd.f32 v33, v32;
	v51 =	vmul.f32 v17, v31;
	v52 =	vld [tilespmem:s28+$0x10];
	[tilespmem:s29+$0x80] =	vst v27  }
0x9b: {  	v4 =	vmul.f32 v21, v4;
	v21 =	vmul.f32 v16, v26;
	v27 =	vld [tilespmem:s28+$0x90];
	[tilespmem:s29+$0x100] =	vst v25  }
0x9c: {  	v26 =	vmul.f32 $2.000000030e-01, v20;
	[tilespmem:s29+$0xFFFFFE00] =	vst v51;
	v25 =	vld [tilespmem:s28+$0x110];
	v24 =	vmul.f32 v24, v8  }
0x9d: {  	[tilespmem:s26+$0x1B0] =	vst v3;
	v19 =	vmul.f32 v19, v10;
	v30 =	vld [tilespmem:s28+$0xFFFFFE10]  }
0x9e: {  	v3 =	vmul.f32 v29, v5;
	v20 =	vmax.f32 v20, v26;
	v5 =	vmul.f32 v14, v28;
	v28 =	vld [tilespmem:s31+$0x0];
	[tilespmem:s29+$0x1A0] =	vst v24  }
0x9f: {  	[tilespmem:s29+$0xFFFFFE90] =	vst v21;
	v21 =	vmul.f32 v15, v23;
	v20 =	vmul.f32 $1.442695020e+00, v20;
	v24 =	vld [tilespmem:s28+$0x1B0]  }
0xa0: {  	v12 =	vmul.f32 v12, v9;
	v29 =	vld [tilespmem:s31+$0x80];
	v26 =	vadd.f32 v36, v35;
	[tilespmem:s29+$0xFFFFFF10] =	vst v5;
	v5 =	vmul.f32 v0, v52  }
0xa1: {  	v22 =	vadd.f32 v22, v37;
	v23 =	vld [tilespmem:s30+$0xC0];
	[tilespmem:s29+$0xFFFFFF90] =	vst v21;
	(erf) = vpow2.f32 v20;
	v21 =	vmul.f32 v2, v27  }
0xa2: {  	v18 =	vadd.f32 v18, v53;
	v20 =	vld [tilespmem:s31+$0x100];
	[tilespmem:s29+$0x10] =	vst v5;
	v5 =	vmul.f32 $2.000000030e-01, v26;
	v25 =	vmul.f32 v1, v25  }
0xa3: {  	v56 =	vld [tilespmem:s30+$0xFFFFFE40];
	v27 =	vmul.f32 v17, v30;
	[tilespmem:s29+$0x90] =	vst v21;
	v21 =	vmul.f32 $2.000000030e-01, v22;
	v28 =	vadd.f32 v28, v54  }
0xa4: {  	[tilespmem:s26+$0x20] =	vst v13;
	v5 =	vmax.f32 v26, v5;
	v8 =	vmul.f32 v24, v8;
	v24 =	vmul.f32 $2.000000030e-01, v18  }
0xa5: {  	[tilespmem:s29+$0x110] =	vst v25;
	v26 =	vld [tilespmem:s28+$0x20];
	v21 =	vmax.f32 v22, v21;
	v5 =	vmul.f32 $1.442695020e+00, v5;
	v25 =	vmul.f32 $2.000000030e-01, v28  }
0xa6: {  	[tilespmem:s29+$0xFFFFFE10] =	vst v27;
	v27 =	vld [tilespmem:s28+$0xA0];
	v13 =	vmul.f32 $1.442695020e+00, v21;
	v21 =	vadd.f32 v29, v23;
	v18 =	vmax.f32 v18, v24  }
0xa7: {  	v20 =	vadd.f32 v20, v55;
	v22 =	vld [tilespmem:s28+$0xFFFFFE20];
	[tilespmem:s29+$0x1B0] =	vst v8;
	(erf) = vpow2.f32 v5;
	v8 =	vmul.f32 $1.442695020e+00, v18  }
0xa8: {  	[tilespmem:s26+$0xA0] =	vst v19;
	v23 =	vld [tilespmem:s28+$0xFFFFFEA0];
	v18 =	vmax.f32 v28, v25;
	v19 =	vmul.f32 $2.000000030e-01, v21;
	v25 =	vadd.f32 v34, v56  }
0xa9: {  	[tilespmem:s26+$0x120] =	vst v12;
	v5 =	vld [tilespmem:s28+$0xFFFFFF20];
	(erf) = vpow2.f32 v13;
	v12 =	vmul.f32 $1.442695020e+00, v18  }
0xaa: {  	[tilespmem:s26+$0xFFFFFE30] =	vst v7;
	v24 =	vld [tilespmem:s28+$0xFFFFFFA0];
	v18 =	vmul.f32 $2.000000030e-01, v20;
	v7 =	vmax.f32 v21, v19;
	v19 =	vmul.f32 $2.000000030e-01, v25  }
0xab: {  	s0 =	simm.s32 $0x8B00;
	[tilespmem:s26+$0xFFFFFEB0] =	vst v4;
	v28 =	vld [tilespmem:s28+$0x120];
	(erf) = vpow2.f32 v8;
	v13 =	vpop (erf);
	v4 =	vmul.f32 $1.442695020e+00, v7  }
0xac: {  	v21 =	vld [tilespmem:s9+$0x130];
	v7 =	vmax.f32 v20, v18;
	[tilespmem:s0+$0x1C0] =	vst v13;
	(erf) = vpow2.f32 v12;
	v8 =	vmul.f32 v22, v17  }
0xad: {  	[tilespmem:s26+$0xFFFFFF30] =	vst v6;
	v6 =	vmax.f32 v25, v19;
	v7 =	vmul.f32 $1.442695020e+00, v7;
	v12 =	vld [tilespmem:s30+$0x180];
	(erf) = vpow2.f32 v4  }
0xae: {  	[tilespmem:s26+$0xFFFFFFB0] =	vst v3;
	v18 =	vld [tilespmem:s9+$0x30];
	v4 =	vmul.f32 $1.442695020e+00, v6;
	v6 =	vmul.f32 v23, v16  }
0xaf: {  	v19 =	vld [tilespmem:s9+$0xB0];
	[tilespmem:s29+$0xFFFFFE20] =	vst v8;
	(erf) = vpow2.f32 v7;
	v7 =	vmul.f32 v5, v14  }
0xb0: {  	v20 =	vld [tilespmem:s28+$0xFFFFFE30];
	(erf) = vpow2.f32 v4;
	[tilespmem:s29+$0xFFFFFEA0] =	vst v6  }
0xb1: {  	v3 =	vpop (erf);
	v22 =	vld [tilespmem:s28+$0xFFFFFEB0];
	[tilespmem:s29+$0xFFFFFF20] =	vst v7  }
0xb2: {  	[tilespmem:s0+$0xFFFFFEC0] =	vst v3;
	v6 =	vmul.f32 v13, v12;
	v5 =	vpop (erf);
	v25 =	vld [tilespmem:s28+$0xFFFFFF30]  }
0xb3: {  	v12 =	vmul.f32 v24, v15;
	v23 =	vld [tilespmem:s30+$0xFFFFFE80];
	[tilespmem:s0+$0xFFFFFF40] =	vst v5  }
0xb4: {  	v29 =	vld [tilespmem:s30+$0xFFFFFF00];
	[tilespmem:s0+$0x180] =	vst v6  }
0xb5: {  	v4 =	vpop (erf);
	[tilespmem:s29+$0xFFFFFFA0] =	vst v12;
	v57 =	vld [tilespmem:s30+$0x190]  }
0xb6: {  	[tilespmem:s0+$0xFFFFFFC0] =	vst v4;
	v60 =	vld [tilespmem:s28+$0xFFFFFFB0];
	v6 =	vpop (erf)  }
0xb7: {  	v24 =	vld [tilespmem:s30+$0xFFFFFF80];
	[tilespmem:s0+$0x40] =	vst v6;
	v7 =	vpop (erf)  }
0xb8: {  	v58 =	vld [tilespmem:s30+$0x0];
	[tilespmem:s0+$0xC0] =	vst v7;
	v8 =	vpop (erf)  }
0xb9: {  	v23 =	vmul.f32 v3, v23;
	v59 =	vld [tilespmem:s30+$0x80];
	[tilespmem:s0+$0x140] =	vst v8;
	v12 =	vpop (erf)  }
0xba: {  	v11 =	vmul.f32 v18, v11;
	[tilespmem:s0+$0xFFFFFE40] =	vst v12;
	v61 =	vld [tilespmem:s30+$0x100];
	v18 =	vmul.f32 v13, v57  }
0xbb: {  	v10 =	vmul.f32 v19, v10;
	v19 =	vmul.f32 v5, v29;
	[tilespmem:s0+$0xFFFFFE80] =	vst v23;
	v23 =	vld [tilespmem:s30+$0xFFFFFE00]  }
0xbc: {  	v17 =	vmul.f32 v20, v17;
	v20 =	vmul.f32 v4, v24;
	v29 =	vld [tilespmem:s30+$0xFFFFFE90];
	[tilespmem:s0+$0x190] =	vst v18  }
0xbd: {  	v9 =	vmul.f32 v21, v9;
	[tilespmem:s0+$0xFFFFFF00] =	vst v19;
	v21 =	vmul.f32 v6, v58;
	v62 =	vld [tilespmem:s30+$0x1A0]  }
0xbe: {  	v18 =	vmul.f32 v22, v16;
	v63 =	vld [tilespmem:s30+$0xFFFFFF10];
	[tilespmem:s0+$0xFFFFFF80] =	vst v20;
	v22 =	vmul.f32 v7, v59  }
0xbf: {  	v19 =	vmul.f32 v26, v0;
	[tilespmem:s0+$0x0] =	vst v21;
	v21 =	vld [tilespmem:s30+$0xFFFFFF90];
	v26 =	vmul.f32 v8, v61  }
0xc0: {  	v14 =	vmul.f32 v25, v14;
	v23 =	vmul.f32 v12, v23;
	[tilespmem:s0+$0x80] =	vst v22;
	v24 =	vld [tilespmem:s30+$0x10]  }
0xc1: {  	v16 =	vmul.f32 v27, v2;
	v27 =	vmul.f32 v3, v29;
	[tilespmem:s0+$0x100] =	vst v26;
	v22 =	vld [tilespmem:s30+$0x90]  }
0xc2: {  	v15 =	vmul.f32 v60, v15;
	[tilespmem:s0+$0xFFFFFE00] =	vst v23;
	v23 =	vld [tilespmem:s30+$0x110];
	v26 =	vmul.f32 v62, v13  }
0xc3: {  	s11 =	simm.s32 $0xF00;
	s9 =	simm.s32 $0x10;
	v20 =	vmul.f32 v28, v1;
	[tilespmem:s0+$0xFFFFFE90] =	vst v27;
	v27 =	vmul.f32 v5, v63;
	v25 =	vld [tilespmem:s30+$0xFFFFFE10]  }
.LBB2_4:
0xc4: {  	v28 =	vld [tilespmem:s11+$0x1C0];
	v21 =	vmul.f32 v4, v21;
	[tilespmem:s0+$0x1A0] =	vst v26  }
0xc5: {  	s31 =	sadd.s32 $0x400, s31;
	[tilespmem:s0+$0xFFFFFF10] =	vst v27;
	v24 =	vmul.f32 v6, v24;
	v26 =	vld [tilespmem:s30+$0x1B0]  }
0xc6: {  	s9 =	sadd.s32 $0x8, s9;
	v27 =	vld [tilespmem:s31+$0x180];
	[tilespmem:s0+$0xFFFFFF90] =	vst v21;
	v21 =	vmul.f32 v7, v22  }
0xc7: {  	p1 =	slt.u32 s9, $0x78;
	v22 =	vld [tilespmem:s31+$0xFFFFFE00];
	[tilespmem:s0+$0x10] =	vst v24;
	v23 =	vmul.f32 v8, v23  }
0xc8: {  	v24 =	vld [tilespmem:s11+$0xFFFFFEC0];
	v25 =	vmul.f32 v12, v25;
	[tilespmem:s0+$0x90] =	vst v21  }
0xc9: {  	v21 =	vld [tilespmem:s31+$0xFFFFFE80];
	[tilespmem:s0+$0x110] =	vst v23  }
0xca: {  	v23 =	vld [tilespmem:s11+$0xFFFFFF40];
	[tilespmem:s0+$0xFFFFFE10] =	vst v25;
	v13 =	vmul.f32 v26, v13  }
0xcb: {  	v25 =	vld [tilespmem:s31+$0xFFFFFF00];
	v26 =	vadd.f32 v27, v28;
	[tilespmem:s29+$0x20] =	vst v19  }
0xcc: {  	v19 =	vld [tilespmem:s11+$0xFFFFFFC0];
	[tilespmem:s0+$0x1B0] =	vst v13  }
0xcd: {  	v13 =	vld [tilespmem:s31+$0xFFFFFF80];
	v27 =	vmul.f32 $2.000000030e-01, v26;
	[tilespmem:s29+$0xA0] =	vst v16  }
0xce: {  	v16 =	vadd.f32 v21, v24;
	v21 =	vld [tilespmem:s11+$0x40];
	[tilespmem:s29+$0x120] =	vst v20  }
0xcf: {  	v20 =	vld [tilespmem:s31+$0x0];
	v24 =	vmax.f32 v26, v27;
	[tilespmem:s29+$0xFFFFFE30] =	vst v17  }
0xd0: {  	v17 =	vmul.f32 $2.000000030e-01, v16;
	v23 =	vadd.f32 v25, v23;
	v25 =	vld [tilespmem:s11+$0xC0];
	v24 =	vmul.f32 $1.442695020e+00, v24;
	[tilespmem:s29+$0xFFFFFEB0] =	vst v18  }
0xd1: {  	v18 =	vld [tilespmem:s31+$0x80];
	[tilespmem:s29+$0xFFFFFF30] =	vst v14  }
0xd2: {  	v14 =	vmul.f32 $2.000000030e-01, v23;
	v13 =	vadd.f32 v13, v19;
	v19 =	vld [tilespmem:s11+$0x140];
	(erf) = vpow2.f32 v24;
	[tilespmem:s29+$0xFFFFFFB0] =	vst v15  }
0xd3: {  	v15 =	vmax.f32 v16, v17;
	v16 =	vld [tilespmem:s31+$0x100];
	[tilespmem:s26+$0x30] =	vst v11  }
0xd4: {  	v11 =	vld [tilespmem:s11+$0xFFFFFE40];
	v14 =	vmax.f32 v23, v14;
	v17 =	vmul.f32 $2.000000030e-01, v13;
	v20 =	vadd.f32 v20, v21;
	[tilespmem:s26+$0xB0] =	vst v10  }
0xd5: {  	v10 =	vmul.f32 $1.442695020e+00, v15;
	v14 =	vmul.f32 $1.442695020e+00, v14;
	v15 =	vld [tilespmem:s30+$0xFFFFFE20];
	[tilespmem:s26+$0x130] =	vst v9;
	s26 =	smov.u32 s29;
	s29 =	smov.u32 s0  }
0xd6: {  	v9 =	vmax.f32 v13, v17;
	v13 =	vmul.f32 $2.000000030e-01, v20;
	v17 =	vadd.f32 v18, v25;
	v18 =	vld [tilespmem:s30+$0xFFFFFEA0]  }
0xd7: {  	v9 =	vmul.f32 $1.442695020e+00, v9;
	(erf) = vpow2.f32 v10;
	v10 =	vld [tilespmem:s30+$0xFFFFFF20]  }
0xd8: {  	v13 =	vmax.f32 v20, v13;
	v20 =	vmul.f32 $2.000000030e-01, v17;
	v16 =	vadd.f32 v16, v19;
	v19 =	vld [tilespmem:s30+$0xFFFFFFA0]  }
0xd9: {  	v11 =	vadd.f32 v22, v11;
	v21 =	vmul.f32 $1.442695020e+00, v13;
	(erf) = vpow2.f32 v14;
	v14 =	vld [tilespmem:s30+$0x20]  }
0xda: {  	s0 =	sadd.s32 $0x400, s0;
	v23 =	vmax.f32 v17, v20;
	v17 =	vmul.f32 $2.000000030e-01, v16;
	(erf) = vpow2.f32 v9;
	v9 =	vld [tilespmem:s30+$0xA0]  }
0xdb: {  	v20 =	vmul.f32 $2.000000030e-01, v11;
	v22 =	vmul.f32 $1.442695020e+00, v23;
	v13 =	vpop (erf);
	v23 =	vld [tilespmem:s30+$0x120]  }
0xdc: {  	v15 =	vmul.f32 v15, v12;
	v16 =	vmax.f32 v16, v17;
	[tilespmem:s0+$0x1C0] =	vst v13;
	(erf) = vpow2.f32 v21;
	v17 =	vld [tilespmem:s28+$0x30]  }
0xdd: {  	v11 =	vmax.f32 v11, v20;
	v16 =	vmul.f32 $1.442695020e+00, v16;
	v20 =	vld [tilespmem:s11+$0x180];
	(erf) = vpow2.f32 v22  }
0xde: {  	v11 =	vmul.f32 $1.442695020e+00, v11;
	[tilespmem:s29+$0xFFFFFE20] =	vst v15;
	v15 =	vmul.f32 v18, v3;
	v18 =	vld [tilespmem:s28+$0xB0]  }
0xdf: {  	v10 =	vmul.f32 v10, v5;
	(erf) = vpow2.f32 v16;
	v21 =	vld [tilespmem:s30+$0xFFFFFE30]  }
0xe0: {  	(erf) = vpow2.f32 v11;
	v22 =	vpop (erf);
	[tilespmem:s29+$0xFFFFFEA0] =	vst v15;
	v15 =	vmul.f32 v19, v4;
	v24 =	vld [tilespmem:s28+$0x130];
	s28 =	smov.u32 s30;
	s30 =	smov.u32 s11  }
0xe1: {  	v16 =	vmul.f32 v9, v7;
	v19 =	vmul.f32 v14, v6;
	[tilespmem:s0+$0xFFFFFEC0] =	vst v22;
	v25 =	vld [tilespmem:s28+$0xFFFFFEB0]  }
0xe2: {  	v14 =	vld [tilespmem:s11+$0xFFFFFE80];
	v9 =	vmul.f32 v13, v20;
	v26 =	vpop (erf);
	[tilespmem:s29+$0xFFFFFF20] =	vst v10;
	v20 =	vmul.f32 v23, v8  }
0xe3: {  	v11 =	vmul.f32 v17, v0;
	v0 =	vmov v6;
	[tilespmem:s0+$0xFFFFFF40] =	vst v26;
	v23 =	vpop (erf);
	v27 =	vld [tilespmem:s28+$0xFFFFFF30];
	v10 =	vmul.f32 v18, v2  }
0xe4: {  	v2 =	vmov v7;
	v28 =	vld [tilespmem:s11+$0xFFFFFF00];
	[tilespmem:s0+$0x180] =	vst v9;
	v17 =	vmul.f32 v21, v12  }
0xe5: {  	[tilespmem:s0+$0xFFFFFFC0] =	vst v23;
	v21 =	vld [tilespmem:s11+$0x190];
	v6 =	vpop (erf);
	v9 =	vmul.f32 v24, v1;
	v1 =	vmov v8  }
0xe6: {  	v24 =	vld [tilespmem:s11+$0xFFFFFF80];
	[tilespmem:s0+$0x40] =	vst v6;
	v7 =	vpop (erf);
	v18 =	vmul.f32 v25, v3;
	v3 =	vmov v22  }
0xe7: {  	v22 =	vmul.f32 v3, v14;
	v25 =	vld [tilespmem:s11+$0x0];
	[tilespmem:s0+$0xC0] =	vst v7  }
0xe8: {  	v29 =	vld [tilespmem:s11+$0x80];
	v8 =	vpop (erf);
	v14 =	vmul.f32 v27, v5;
	[tilespmem:s29+$0xFFFFFFA0] =	vst v15;
	v5 =	vmov v26  }
0xe9: {  	v15 =	vmul.f32 v5, v28;
	[tilespmem:s0+$0x140] =	vst v8;
	v12 =	vpop (erf);
	v26 =	vld [tilespmem:s28+$0xFFFFFFB0]  }
0xea: {  	[tilespmem:s0+$0xFFFFFE40] =	vst v12;
	v27 =	vld [tilespmem:s11+$0x100];
	v21 =	vmul.f32 v13, v21  }
0xeb: {  	v28 =	vld [tilespmem:s11+$0xFFFFFE00];
	[tilespmem:s0+$0xFFFFFE80] =	vst v22;
	v22 =	vmul.f32 v23, v24  }
0xec: {  	v30 =	vld [tilespmem:s11+$0xFFFFFE90];
	v24 =	vmul.f32 v6, v25;
	[tilespmem:s0+$0x190] =	vst v21  }
0xed: {  	[tilespmem:s0+$0xFFFFFF00] =	vst v15;
	v25 =	vmul.f32 v7, v29;
	v29 =	vld [tilespmem:s11+$0x1A0]  }
0xee: {  	v31 =	vld [tilespmem:s11+$0xFFFFFF10];
	[tilespmem:s0+$0xFFFFFF80] =	vst v22;
	v15 =	vmul.f32 v26, v4;
	v4 =	vmov v23  }
.Ltmp5:
0xef: {  	v21 =	vld [tilespmem:s11+$0xFFFFFF90];
	[tilespmem:s0+$0x0] =	vst v24;
	v23 =	vmul.f32 v8, v27;
	(pc) =	sbr.rel @p1 .LBB2_4-.Ltmp5, $4  }
0xf0: {  	v26 =	vmul.f32 v12, v28;
	v24 =	vld [tilespmem:s11+$0x10];
	[tilespmem:s0+$0x80] =	vst v25  }
0xf1: {  	v27 =	vmul.f32 v3, v30;
	v22 =	vld [tilespmem:s11+$0x90];
	[tilespmem:s0+$0x100] =	vst v23  }
0xf2: {  	[tilespmem:s0+$0xFFFFFE00] =	vst v26;
	v23 =	vld [tilespmem:s11+$0x110];
	v26 =	vmul.f32 v29, v13  }
0xf3: {  	s11 =	sadd.s32 $0x400, s11;
	v25 =	vld [tilespmem:s30+$0xFFFFFE10];
	[tilespmem:s0+$0xFFFFFE90] =	vst v27;
	v27 =	vmul.f32 v5, v31  }
0xf4: {  	[tilespmem:s0+$0x1A0] =	vst v26  }
0xf5: {  	[tilespmem:s29+$0x20] =	vst v19  }
0xf6: {  	[tilespmem:s29+$0xA0] =	vst v16  }
0xf7: {  	[tilespmem:s29+$0x120] =	vst v20  }
0xf8: {  	[tilespmem:s29+$0xFFFFFE30] =	vst v17  }
0xf9: {  	[tilespmem:s29+$0xFFFFFEB0] =	vst v18  }
0xfa: {  	[tilespmem:s29+$0xFFFFFF30] =	vst v14  }
0xfb: {  	[tilespmem:s29+$0xFFFFFFB0] =	vst v15  }
0xfc: {  	[tilespmem:s26+$0x30] =	vst v11  }
0xfd: {  	[tilespmem:s26+$0xB0] =	vst v10  }
0xfe: {  	v21 =	vmul.f32 v4, v21;
	v40 =	vld [tilespmem:s30+$0xFFFFFEA0];
	[tilespmem:s26+$0x130] =	vst v9  }
0xff: {  	[tilespmem:s0+$0xFFFFFF10] =	vst v27;
	v24 =	vmul.f32 v6, v24;
	v26 =	vld [tilespmem:s30+$0x1B0]  }
0x100: {  	v51 =	vld [tilespmem:s28+$0x30];
	[tilespmem:s0+$0xFFFFFF90] =	vst v21;
	v36 =	vmul.f32 v7, v22  }
0x101: {  	v41 =	vld [tilespmem:s30+$0xFFFFFF20];
	[tilespmem:s0+$0x10] =	vst v24;
	v37 =	vmul.f32 v8, v23  }
0x102: {  	v42 =	vld [tilespmem:s30+$0xFFFFFFA0];
	v38 =	vmul.f32 v12, v25;
	[tilespmem:s0+$0x90] =	vst v36  }
0x103: {  	v43 =	vld [tilespmem:s30+$0x20];
	[tilespmem:s0+$0x110] =	vst v37;
	v45 =	vmul.f32 v40, v3  }
0x104: {  	v44 =	vld [tilespmem:s30+$0xA0];
	[tilespmem:s0+$0xFFFFFE10] =	vst v38;
	v13 =	vmul.f32 v26, v13  }
0x105: {  	v46 =	vld [tilespmem:s30+$0x120];
	v0 =	vmul.f32 v51, v0;
	[tilespmem:s0+$0xFFFFFEA0] =	vst v45  }
0x106: {  	v39 =	vld [tilespmem:s30+$0xFFFFFE20];
	v47 =	vmul.f32 v41, v5;
	[tilespmem:s0+$0x1B0] =	vst v13  }
0x107: {  	v52 =	vld [tilespmem:s28+$0xB0];
	v14 =	vmul.f32 v42, v4;
	[tilespmem:s29+$0x30] =	vst v0  }
0x108: {  	v54 =	vld [tilespmem:s28+$0x130];
	[tilespmem:s0+$0xFFFFFF20] =	vst v47;
	v11 =	vmul.f32 v43, v6  }
0x109: {  	v15 =	vld [tilespmem:s30+$0xFFFFFEB0];
	[tilespmem:s0+$0xFFFFFFA0] =	vst v14;
	v49 =	vmul.f32 v44, v7  }
0x10a: {  	v50 =	vld [tilespmem:s30+$0xFFFFFFB0];
	v16 =	vmul.f32 v46, v8;
	[tilespmem:s0+$0x20] =	vst v11  }
0x10b: {  	v13 =	vmul.f32 v39, v12;
	[tilespmem:s0+$0xA0] =	vst v49;
	v57 =	vld [tilespmem:s30+$0x30]  }
0x10c: {  	v2 =	vmul.f32 v52, v2;
	[tilespmem:s0+$0x120] =	vst v16;
	v59 =	vld [tilespmem:s30+$0xB0]  }
0x10d: {  	v1 =	vmul.f32 v54, v1;
	[tilespmem:s0+$0xFFFFFE20] =	vst v13;
	v13 =	vld [tilespmem:s30+$0xFFFFFF30]  }
0x10e: {  	[tilespmem:s29+$0xB0] =	vst v2;
	v55 =	vmul.f32 v15, v3;
	v60 =	vld [tilespmem:s30+$0x130]  }
0x10f: {  	[tilespmem:s29+$0x130] =	vst v1;
	v48 =	vld [tilespmem:s30+$0xFFFFFE30];
	v58 =	vmul.f32 v50, v4  }
0x110: {  	[tilespmem:s0+$0xFFFFFEB0] =	vst v55;
	v61 =	vmul.f32 v57, v6  }
0x111: {  	[tilespmem:s0+$0xFFFFFFB0] =	vst v58;
	v62 =	vmul.f32 v59, v7  }
0x112: {  	v56 =	vmul.f32 v13, v5;
	[tilespmem:s0+$0x30] =	vst v61  }
0x113: {  	v63 =	vmul.f32 v60, v8;
	[tilespmem:s0+$0xB0] =	vst v62  }
0x114: {  	v53 =	vmul.f32 v48, v12;
	[tilespmem:s0+$0xFFFFFF30] =	vst v56  }
0x115: {  	[tilespmem:s0+$0x130] =	vst v63  }
.Ltmp6:
0x116: {  	[tilespmem:s0+$0xFFFFFE30] =	vst v53;
	(pc) =	sbr.rel .LBB2_6-.Ltmp6, $4  }
0x117: {  	[spmem:s2] =	stream.indirect.scatter.add.f32 [tilespmem:s23], [sflag:$0x3], $0x50, s18, s18, $0xb8;
	[tilespmem:$0x18450] =	vst v63  }
0x118: {  	_ =	swait.ge [sflag:s15], $0x2800  }
0x119: {  	[sflag:s15] =	ssyncset.done $0x0  }
0x11a: {  	[sflag:s15] =	ssyncadd.s32 $0xFFFFD800  }
.LBB2_8:
0x11b: {  	_ =	sfence.sel $0x180000  }
0x11c: {  	[bflag:$0x0] =	sbarrier.arrive $0xFFFF  }
0x11d: {  	_ =	strace $0x9000004A  }
0x11e: {  	[bflag:$0x2] =	sbarrier.arrive $0xFFFF  }
0x11f: {  	s0 =	rddreg [dreg:$0x3]  }
0x120: {  	s0 =	sadd.s32 @!p0 $0x100000, s0  }
0x121: {  	[sflag:s0] =	ssyncadd.tile.s32 @!p0 $0x1;
	_ =	shalt  }
.Lfunc_end2:
_tile_overlayer_lowered:
.L_overlay_start_2:
0x122: {  	(tag) =	ssettag $0x2  }
0x123: {  	s0 =	rddreg [dreg:$0x0];
	s2 =	stileid.u32  }
0x124: {  	s1 =	rddreg [dreg:$0x1];
	p0 =	sne.s32 s2, $0x0  }
0x125: {  	s3 =	rddreg [dreg:$0x2];
	[bflag:$0x3] =	sbarrier.arrive $0xFFFF;
	s2 =	simm.s32 @!p0 $0x1C03  }
0x126: {  	[timem:s3], [sflag:s2] =	dma.local @!p0 [hbm:s0], s1  }
0x127: {  	s0 =	simm.s32 @!p0 $0x3  }
0x128: {  	_ =	swait.ge @!p0 [sflag:s0], s1  }
0x129: {  	s1 =	ssub.s32 @!p0 $0x0, s1;
	[sflag:s0] =	ssyncset.done @!p0 $0x0  }
0x12a: {  	[sflag:s0] =	ssyncadd.s32 @!p0 s1  }
0x12b: {  	[bflag:$0x3] =	sbarrier.arrive $0xFFFF  }
0x12c: {  	_ =	shalt  }

// kernel: kernel.7.cloned.1.call-start
scs
__scs_entry_jumppad:
0x0: {  	(pc) =	sbr.rel $0x88, $3  }
0x1: {  	(tag) =	ssettag $0x0;
	lr =	simm.s32 $0x1  }
0x2: {  	[smem:$0x3F97] =	sst lr;
	_ =	strace $0xD0000000  }
0x3: {  	_ = 	snop  }
0x4: {  	_ = 	snop  }
0x5: {  	_ = 	snop  }
0x6: {  	_ = 	snop  }
0x7: {  	_ = 	snop  }
__scs_overlays_trampoline_lowered:
0x8: {  	[smem:$0x3FA6] =	sst s0  }
0x9: {  	[smem:$0x3FA7] =	sst s1  }
0xa: {  	[smem:$0x3FA8] =	sst s2  }
0xb: {  	[smem:$0x3FA9] =	sst s3  }
0xc: {  	[smem:$0x3FAA] =	sst s4  }
0xd: {  	[smem:$0x3FAB] =	sst s5  }
0xe: {  	[smem:$0x3FAC] =	sst s6  }
0xf: {  	[smem:$0x3FAD] =	sst s7  }
0x10: {  	[smem:$0x3FAE] =	sst s8  }
0x11: {  	[smem:$0x3FAF] =	sst s9;
	s0 =	simm.s32 @!p0 $0x0  }
0x12: {  	s1 =	sld [smem:$0x3F95];
	s0 =	simm.s32 @p0 $0x1  }
0x13: {  	[smem:$0x3FB0] =	sst s0;
	s0 =	simm.s32 @!p1 $0x0  }
0x14: {  	s2 =	sld [smem:$0x3F94];
	s0 =	simm.s32 @p1 $0x1  }
0x15: {  	[smem:$0x3FB1] =	sst s0;
	s0 =	simm.s32 @!p2 $0x0  }
0x16: {  	s3 =	sld [smem:$0x3FDB];
	s0 =	simm.s32 @p2 $0x1  }
0x17: {  	s4 =	simm.s32 $0x1BF5;
	[smem:$0x3FB3] =	sst s0  }
0x18: {  	s0 =	sld [smem:$0x3F96];
	_ =	swait.ge [sflag:s4], $0x0  }
0x19: {  	s7 =	sld [smem:$0x3F97]  }
0x1a: {  	s8 =	sadd.s32 $0xFFFFE003, lr  }
0x1b: {  	s9 =	sadd.s32 $0xFFFFFEF7, lr;
	s5 =	simm.s32 $0xFFFFFFFF;
	p2 =	slt.u32 s8, $0xFFFFF086  }
0x1c: {  	p1 =	slt.u32 s9, $0xF7A;
	s5 =	simm.s32 @!p2 $0x0  }
0x1d: {  	s5 =	simm.s32 @p1 $0x1;
	p0 =	seq.s32 s7, s2  }
0x1e: {  	s7 =	smul.u32 @!p0 $0xF7A, s2;
	p2 =	seq.s32 @!p0 s5, $0x0  }
0x1f: {  	s9 =	smul.u32 $0xF7A, s1;
	s8 =	simm.s32 @!p0 $0x1BF5;
	p2 =	por !p2, p0  }
0x20: {  	[sflag:s8] =	ssyncset.s32 @!p0 $0xFFFFF086;
	s6 =	sadd.s32 @!p0 s3, s7;
	s7 =	simm.s32 @!p0 $0x108  }
0x21: {  	s3 =	sadd.s32 s3, s9;
	s6 =	sadd.s32 @!p0 $0x88, s6;
	s7 =	simm.s32 @p2 $0x1082  }
0x22: {  	[simem:s7], [sflag:s8] =	dma.local @!p0 [hbm:s6], $0xF7A  }
0x23: {  	s9 =	sor.u32 $0xD0000000, s2;
	s6 =	simm.s32 $0x108;
	_ =	swait.ge @!p0 [sflag:s8], $0x0  }
0x24: {  	s3 =	sadd.s32 $0x88, s3;
	s6 =	simm.s32 @!p1 $0x1082;
	[sflag:s4] =	ssyncset.s32 $0xFFFFF086  }
0x25: {  	[simem:s6], [sflag:s4] =	dma.local [hbm:s3], $0xF7A  }
0x26: {  	[smem:$0x3F97] =	sst s1;
	(tag) =	ssettag s2;
	_ =	strace s9  }
0x27: {  	s1 =	sld [smem:$0x3FA7]  }
0x28: {  	s2 =	sld [smem:$0x3FA8]  }
0x29: {  	s4 =	sld [smem:$0x3FAA]  }
0x2a: {  	p0 =	seq.s32 s5, $0x0;
	s5 =	sld [smem:$0x3FAB]  }
0x2b: {  	s6 =	sld [smem:$0x3FAC]  }
0x2c: {  	s7 =	sld [smem:$0x3FAD]  }
0x2d: {  	s3 =	simm.s32 $0x108;
	s8 =	sld [smem:$0x3FAE]  }
0x2e: {  	s3 =	simm.s32 @!p0 $0x1082;
	s9 =	sld [smem:$0x3FAF]  }
0x2f: {  	lr =	sadd.s32 s0, s3;
	s0 =	sld [smem:$0x3FA6]  }
0x30: {  	s3 =	sld [smem:$0x3FA9]  }
0x31: {  	[smem:$0x3FB2] =	sst s10  }
0x32: {  	s10 =	sld [smem:$0x3FB0];
	_ =	sdelay $0x3  }
0x33: {  	p0 =	seq.s32 s10, $0x1;
	s10 =	sld [smem:$0x3FB2];
	_ =	sdelay $0x3  }
0x34: {  	[smem:$0x3FB2] =	sst s10  }
0x35: {  	s10 =	sld [smem:$0x3FB1];
	_ =	sdelay $0x3  }
0x36: {  	p1 =	seq.s32 s10, $0x1;
	s10 =	sld [smem:$0x3FB2];
	_ =	sdelay $0x3  }
0x37: {  	[smem:$0x3FB2] =	sst s10  }
0x38: {  	s10 =	sld [smem:$0x3FB3]  }
0x39: {  	_ = 	snop;
	(pc) =	sbr.ind lr, $3  }
0x3a: {  	_ = 	snop  }
0x3b: {  	_ = 	snop  }
0x3c: {  	p2 =	seq.s32 s10, $0x1;
	s10 =	sld [smem:$0x3FB2]  }
0x3d: {  	_ =	shalt  }
0x3e: {  	_ =	shalt  }
0x3f: {  	_ =	shalt  }
0x40: {  	_ =	shalt  }
0x41: {  	_ =	shalt  }
0x42: {  	_ =	shalt  }
0x43: {  	_ =	shalt  }
0x44: {  	_ =	shalt  }
0x45: {  	_ =	shalt  }
0x46: {  	_ =	shalt  }
0x47: {  	_ =	shalt  }
0x48: {  	_ =	shalt  }
0x49: {  	_ =	shalt  }
0x4a: {  	_ =	shalt  }
0x4b: {  	_ =	shalt  }
0x4c: {  	_ =	shalt  }
0x4d: {  	_ =	shalt  }
0x4e: {  	_ =	shalt  }
0x4f: {  	_ =	shalt  }
0x50: {  	_ =	shalt  }
0x51: {  	_ =	shalt  }
0x52: {  	_ =	shalt  }
0x53: {  	_ =	shalt  }
0x54: {  	_ =	shalt  }
0x55: {  	_ =	shalt  }
0x56: {  	_ =	shalt  }
0x57: {  	_ =	shalt  }
0x58: {  	_ =	shalt  }
0x59: {  	_ =	shalt  }
0x5a: {  	_ =	shalt  }
0x5b: {  	_ =	shalt  }
0x5c: {  	_ =	shalt  }
0x5d: {  	_ =	shalt  }
0x5e: {  	_ =	shalt  }
0x5f: {  	_ =	shalt  }
0x60: {  	_ =	shalt  }
0x61: {  	_ =	shalt  }
0x62: {  	_ =	shalt  }
0x63: {  	_ =	shalt  }
0x64: {  	_ =	shalt  }
0x65: {  	_ =	shalt  }
0x66: {  	_ =	shalt  }
0x67: {  	_ =	shalt  }
0x68: {  	_ =	shalt  }
0x69: {  	_ =	shalt  }
0x6a: {  	_ =	shalt  }
0x6b: {  	_ =	shalt  }
0x6c: {  	_ =	shalt  }
0x6d: {  	_ =	shalt  }
0x6e: {  	_ =	shalt  }
0x6f: {  	_ =	shalt  }
0x70: {  	_ =	shalt  }
0x71: {  	_ =	shalt  }
0x72: {  	_ =	shalt  }
0x73: {  	_ =	shalt  }
0x74: {  	_ =	shalt  }
0x75: {  	_ =	shalt  }
0x76: {  	_ =	shalt  }
0x77: {  	_ =	shalt  }
0x78: {  	_ =	shalt  }
0x79: {  	_ =	shalt  }
0x7a: {  	_ =	shalt  }
0x7b: {  	_ =	shalt  }
0x7c: {  	_ =	shalt  }
0x7d: {  	_ =	shalt  }
0x7e: {  	_ =	shalt  }
0x7f: {  	_ =	shalt  }
0x80: {  	_ =	shalt  }
0x81: {  	_ =	shalt  }
0x82: {  	_ =	shalt  }
0x83: {  	_ =	shalt  }
0x84: {  	_ =	shalt  }
0x85: {  	_ =	shalt  }
0x86: {  	_ =	shalt  }
0x87: {  	_ =	shalt  }
.Lfunc_end0:
.L_simem_size_0:
called_computation_lowered:
.L_overlay_start_0:
0x88: {  	s2 =	sld [smem:$0x3FD9]  }
0x89: {  	s3 =	sld [smem:$0x3FFE];
	_ =	sdelay $0x1  }
0x8a: {  	s1 =	srdreg.scid  }
0x8b: {  	s0 =	sand.u32 $0x1, s1  }
0x8c: {  	s17 =	sshll.u32 s0, $0xA;
	s2 =	sadd.s32 s3, s2  }
0x8d: {  	s2 =	sadd.s32 s2, s17  }
0x8e: {  	[smem:$0x3FBE] =	sst s2  }
0x8f: {  	_ = 	snop  }
0x90: {  	s2 =	sld [smem:$0x3FD0];
	(tm) =	ssettm $0x1  }
0x91: {  	s18 =	sld [smem:$0x3FFB];
	_ =	sdelay $0x3  }
0x92: {  	_ =	strace s18  }
0x93: {  	s3 =	sld [smem:$0x3FFC];
	_ =	sdelay $0x3  }
0x94: {  	_ =	strace s3  }
0x95: {  	s3 =	sld [smem:$0x3FFD];
	_ =	sdelay $0x3  }
0x96: {  	_ =	strace s3  }
0x97: {  	_ =	strace $0x8FFFFFFF  }
0x98: {  	s19 =	sld [smem:$0x3FDB];
	_ =	sdelay $0x1  }
0x99: {  	s4 =	simm.s32 $_scs_section_size  }
0x9a: {  	s5 =	simm.s32 $_size__tile_overlayer_lowered;
	s6 =	simm.s32 $_tile_overlayer_lowered  }
0x9b: {  	s22 =	simm.s32 $0x1BFF;
	s21 =	sshll.u32 s6, $0x1;
	s3 =	sadd.s32 s4, s19  }
0x9c: {  	s7 =	simm.s32 $0x0;
	s20 =	sshll.u32 s5, $0x1;
	s5 =	sadd.s32 s21, s3  }
0x9d: {  	[timem:s7], [sflag:s22] =	dma.local [hbm:s5], s20  }
0x9e: {  	_ =	swait.ge [sflag:s22], s20  }
0x9f: {  	s4 =	ssub.s32 $0x0, s20;
	[sflag:s22] =	ssyncset.done $0x0  }
0xa0: {  	[sflag:s22] =	ssyncadd.s32 s4;
	_ =	sdelay $0x1  }
0xa1: {  	s23 =	simm.s32 $0x1B8B  }
0xa2: {  	_ =	swait.ge [sflag:s23], $0x1  }
0xa3: {  	[sflag:s23] =	ssyncset.done $0x0  }
0xa4: {  	s25 =	simm.s32 $0x1B8E;
	s24 =	sld [smem:$0x3FFE];
	[sflag:s23] =	ssyncadd.s32 $0xFFFFFFFF  }
0xa5: {  	s26 =	simm.s32 $execute0_lowered;
	[smem:$0x3FD2] =	sst s25  }
0xa6: {  	s5 =	sshll.u32 s26, $0x1;
	_ =	strace $0x80000046;
	[dreg:$0x1] =	wrdreg $0xFFFFFFFF  }
0xa7: {  	s28 =	simm.s32 $_size_execute0_lowered;
	s3 =	sadd.s32 s3, s5;
	[dreg:$0x0] =	wrdreg $0x0  }
0xa8: {  	s5 =	sshll.u32 s28, $0x1;
	[dreg:$0x2] =	wrdreg s3  }
0xa9: {  	[dreg:$0x3] =	wrdreg s5  }
0xaa: {  	[dreg:$0x4] =	wrdreg $0xC0  }
0xab: {  	_ =	task [dreg:s7], $0x5FFFF  }
0xac: {  	[dreg:$0x1] =	wrdreg $0xFFFFFFFF  }
0xad: {  	[dreg:$0x0] =	wrdreg $0x60  }
0xae: {  	[dreg:$0x2] =	wrdreg s24  }
0xaf: {  	[dreg:$0x3] =	wrdreg s2  }
0xb0: {  	[dreg:$0x4] =	wrdreg $0xC1000  }
0xb1: {  	[dreg:$0x5] =	wrdreg $0x9  }
0xb2: {  	_ =	task.clear_ibuf [dreg:s7], $0x6FFFF;
	_ =	strace $0x90000046  }
0xb3: {  	s29 =	simm.s32 $0x9;
	_ =	strace $0x80000048  }
0xb4: {  	_ =	swait.ge [sflag:s29], $0x1  }
0xb5: {  	[sflag:s29] =	ssyncadd.s32 $0xFFFFFFFF  }
0xb6: {  	_ =	strace $0x90000048  }
0xb7: {  	_ =	sfence  }
0xb8: {  	s30 =	sld [smem:$0x0];
	_ =	sdelay $0x2  }
0xb9: {  	s31 =	sshll.u32 s1, $0xD;
	s1 =	sshrl.u32 s1, $0x2  }
0xba: {  	s3 =	sand.u32 $0x4000, s31;
	s1 =	sadd.s32 s1, s30  }
0xbb: {  	s0 =	sor.u32 s3, s0;
	s1 =	sshll.u32 s1, $0x11  }
0xbc: {  	s0 =	sor.u32 s1, s0  }
0xbd: {  	s0 =	sadd.s32 $0x8F2B, s0  }
0xbe: {  	[sflag:s0] =	ssyncadd.remote.s32 $0x1  }
0xbf: {  	_ =	sfence.sel $0xFFFF  }
0xc0: {  	[dreg:$0x0] =	wrdreg $0xFFFFFFFF;
	(pc) =	sbr.abs _section_cstart, $3  }
0xc1: {  	[dreg:$0x1] =	wrdreg $0xFFFFFFFF  }
0xc2: {  	_ =	task.clear_ibuf [dreg:s7], $0x2FFFF;
	_ =	strace $0x9FFFFFFF  }
0xc3: {  	(tm) =	ssettm $0x7FFFFFFF  }
tec
execute0_lowered:
.L_overlay_start_1:
0x0: {  	(tag) =	ssettag $0x1  }
0x1: {  	s0 =	rddreg [dreg:$0x0]  }
0x2: {  	s1 =	rddreg [dreg:$0x1]  }
0x3: {  	s2 =	rddreg [dreg:$0x2];
	s3 =	simm.s32 $0x0  }
0x4: {  	s4 =	stileid.u32;
	s5 =	srdreg.scid;
	s15 =	simm.s32 $0x3  }
0x5: {  	s17 =	simm.s32 $0x4;
	s18 =	simm.s32 $0x80;
	s19 =	simm.s32 $0x100  }
0x6: {  	s20 =	simm.s32 $0x4100;
	s21 =	simm.s32 $0x1;
	[smem:$0x7FF] =	sst s3  }
0x7: {  	s12 =	smul.u32 $0x2700, s4;
	s5 =	sand.u32 $0x1, s5;
	s6 =	sadd.s32 $0xB400, s0  }
0x8: {  	s7 =	sadd.s32 $0x1600, s0;
	s11 =	smul.u32 $0x4E000, s4;
	s29 =	sshll.u32 s4, $0x6  }
0x9: {  	p0 =	sne.s32 s4, $0x0;
	_ =	strace $0x80000047;
	s8 =	smul.u32 $0x27100, s5  }
0xa: {  	s9 =	ssub.s32 $0x2, s5;
	[dreg:$0x4] =	wrdreg s12;
	s12 =	sadd.s32 s12, s0  }
0xb: {  	s10 =	sshrl.u32 s9, $0x1;
	s28 =	sshrl.u32 s11, $0x2;
	s12 =	sadd.s32 $0x32600, s12  }
0xc: {  	s13 =	sadd.s32 s8, s0;
	s0 =	sadd.s32 $0x59600, s0;
	[dreg:$0x5] =	wrdreg s12  }
0xd: {  	s9 =	ssub.s32 s9, s10;
	[dreg:$0x7] =	wrdreg s0;
	s30 =	sadd.s32 $0x59800, s13  }
.Ltmp0:
0xe: {  	s31 =	smax.u32 s9, $0x1;
	[dreg:$0x8] =	wrdreg s30;
	(pc) =	sbr.rel .LBB2_1-.Ltmp0, $4  }
0xf: {  	v0 =	vlaneseq.u32;
	s10 =	sadd.s32 s28, s2;
	s12 =	sor.u32 $0x1C03, s29;
	[dreg:$0x9] =	wrdreg s31  }
0x10: {  	v3 =	vshrl.u32 v0, $0x3;
	s11 =	sadd.s32 $0x138000, s2;
	s9 =	sshrl.u32 s10, $0x3;
	[dreg:$0x6] =	wrdreg s12  }
0x11: {  	s22 =	simm.s32 $0x2;
	v0 =	vor.u32 $0x40, v3;
	s10 =	sshrl.u32 @!p0 s11, $0x3;
	[dreg:$0xa] =	wrdreg s9  }
0x12: {  	s23 =	simm.s32 $0x8100;
	v1 =	vor.u32 $0x42, v3;
	v2 =	vor.u32 $0x44, v3;
	v3 =	vor.u32 $0x46, v3;
	s8 =	sshll.u32 s4, $0x1;
	[dreg:$0xb] =	wrdreg s10  }
.LBB2_7:
0x13: {  	[bflag:$0x0] =	sbarrier.arrive $0xFFFF  }
0x14: {  	s0 =	rddreg [dreg:$0x4]  }
0x15: {  	s4 =	rddreg [dreg:$0x8]  }
0x16: {  	s12 =	rddreg [dreg:$0x6]  }
0x17: {  	s9 =	rddreg [dreg:$0xa];
	s0 =	sadd.s32 s0, s4  }
0x18: {  	[hbm:s0], [sflag:s12] =	dma.local [spmem:s9], $0x2700  }
0x19: {  	_ =	swait.ge [sflag:s15], $0x2700  }
0x1a: {  	[sflag:s15] =	ssyncset.done $0x0  }
0x1b: {  	s0 =	sadd.s32 @!p0 $0x27000, s4;
	s10 =	rddreg [dreg:$0xb];
	[sflag:s15] =	ssyncadd.s32 $0xFFFFD900  }
0x1c: {  	[hbm:s0], [sflag:s12] =	dma.local @!p0 [spmem:s10], $0x100  }
0x1d: {  	s0 =	simm.s32 @!p0 $0x3  }
0x1e: {  	_ =	swait.ge @!p0 [sflag:s0], $0x100  }
0x1f: {  	s3 =	sadd.s32 $0x1, s3;
	s31 =	rddreg [dreg:$0x9]  }
0x20: {  	p1 =	sne.s32 s3, s31  }
.Ltmp1:
0x21: {  	_ = 	snop;
	(pc) =	sbr.rel @!p1 .LBB2_8-.Ltmp1, $3  }
0x22: {  	_ =	sdelay $0x1  }
0x23: {  	[sflag:s0] =	ssyncset.done @!p0 $0x0  }
0x24: {  	[sflag:s0] =	ssyncadd.s32 @!p0 $0xFFFFFF00  }
.LBB2_1:
0x25: {  	s0 =	rddreg [dreg:$0x5]  }
0x26: {  	[spmem:s9], [sflag:s12] =	dma.local [hbm:s0], $0x2700  }
0x27: {  	_ =	swait.ge [sflag:s15], $0x2700  }
0x28: {  	[sflag:s15] =	ssyncset.done $0x0  }
0x29: {  	s0 =	rddreg [dreg:$0x7];
	[sflag:s15] =	ssyncadd.s32 $0xFFFFD900  }
0x2a: {  	[spmem:s10], [sflag:s12] =	dma.local @!p0 [hbm:s0], $0x100  }
0x2b: {  	s0 =	simm.s32 @!p0 $0x3  }
.Ltmp2:
0x2c: {  	_ =	swait.ge @!p0 [sflag:s0], $0x100;
	(pc) =	sbr.rel .LBB2_2-.Ltmp2, $4  }
0x2d: {  	[sflag:s0] =	ssyncset.done @!p0 $0x0  }
0x2e: {  	[sflag:s0] =	ssyncadd.s32 @!p0 $0xFFFFFF00  }
0x2f: {  	[bflag:$0x0] =	sbarrier.arrive $0xFFFF  }
0x30: {  	s24 =	simm.s32 $0x0  }
.LBB2_6:
0x31: {  	s24 =	sadd.s32 $0x1, s24  }
0x32: {  	p1 =	sne.s32 s24, $0x4F  }
.Ltmp3:
0x33: {  	_ = 	snop;
	(pc) =	sbr.rel @!p1 .LBB2_7-.Ltmp3, $1  }
0x34: {  	_ =	sdelay $0x3  }
.LBB2_2:
0x35: {  	s0 =	sshll.u32 s24, $0x5  }
0x36: {  	s0 =	sor.u32 s8, s0  }
0x37: {  	p1 =	sgt.u32 s0, $0x9C3  }
.Ltmp4:
0x38: {  	_ = 	snop;
	(pc) =	sbr.rel @p1 .LBB2_6-.Ltmp4, $1  }
0x39: {  	_ =	sdelay $0x3  }
0x3a: {  	s0 =	sor.u32 s5, s0  }
0x3b: {  	s0 =	sshll.u32 s0, $0x4  }
0x3c: {  	s9 =	simm.s32 $0x0;
	s4 =	sadd.s32 s7, s0  }
0x3d: {  	[tilespmem:s9], [sflag:$0x4] =	stream.linear.gather [hbm4b:s4+s9], $0x80, $0x38;
	[tilespmem:$0x18450] =	vst v63  }
0x3e: {  	_ =	swait.ge [sflag:s17], $0x80  }
0x3f: {  	[sflag:s17] =	ssyncset.done $0x0  }
0x40: {  	s0 =	sadd.s32 s1, s0;
	[sflag:s17] =	ssyncadd.s32 $0xFFFFFF80  }
0x41: {  	[tilespmem:s18], [sflag:$0x4] =	stream.linear.gather [hbm4b:s0+s9], $0x80, $0x38;
	[tilespmem:$0x18450] =	vst v63  }
0x42: {  	_ =	swait.ge [sflag:s17], $0x80  }
0x43: {  	[sflag:s17] =	ssyncset.done $0x0  }
0x44: {  	[sflag:s17] =	ssyncadd.s32 $0xFFFFFF80  }
0x45: {  	[tilespmem:s19], [sflag:$0x1] =	stream.indirect.gather [hbm4b:s6+s18], $0x80, s9, s18, $0xb8;
	[tilespmem:$0x18450] =	vst v63  }
0x46: {  	_ = 	snop  }
0x47: {  	[tilespmem:s20], [sflag:$0x2] =	stream.indirect.gather [hbm4b:s6+s18], $0x80, s18, s18, $0xb8;
	[tilespmem:$0x18450] =	vst v63  }
0x48: {  	_ =	swait.ge [sflag:s21], $0x4000  }
0x49: {  	[sflag:s21] =	ssyncset.done $0x0  }
0x4a: {  	[sflag:s21] =	ssyncadd.s32 $0xFFFFC000  }
0x4b: {  	_ =	swait.ge [sflag:s22], $0x4000  }
0x4c: {  	[sflag:s22] =	ssyncset.done $0x0  }
0x4d: {  	s29 =	simm.s32 $0x300;
	[sflag:s22] =	ssyncadd.s32 $0xFFFFC000  }
0x4e: {  	s4 =	simm.s32 $0x4350;
	v4 =	vld [tilespmem:s29+$0x1C0]  }
0x4f: {  	v5 =	vld [tilespmem:s4+$0x180]  }
0x50: {  	v6 =	vld [tilespmem:s4+$0xFFFFFE00]  }
0x51: {  	v7 =	vld [tilespmem:s29+$0xFFFFFEC0]  }
0x52: {  	v8 =	vld [tilespmem:s4+$0xFFFFFE80]  }
0x53: {  	v9 =	vld [tilespmem:s29+$0xFFFFFF40]  }
0x54: {  	v10 =	vld [tilespmem:s4+$0xFFFFFF00];
	v4 =	vadd.f32 v5, v4  }
0x55: {  	v11 =	vld [tilespmem:s4+$0xFFFFFF80]  }
0x56: {  	v5 =	vld [tilespmem:s29+$0xFFFFFFC0];
	v12 =	vmul.f32 $2.000000030e-01, v4  }
0x57: {  	v13 =	vld [tilespmem:s29+$0x40]  }
0x58: {  	v14 =	vld [tilespmem:s4+$0x80];
	v7 =	vadd.f32 v8, v7;
	v4 =	vmax.f32 v4, v12  }
0x59: {  	v8 =	vld [tilespmem:s4+$0x0];
	v4 =	vmul.f32 $1.442695020e+00, v4  }
0x5a: {  	v9 =	vadd.f32 v10, v9;
	v10 =	vld [tilespmem:s29+$0xC0];
	v12 =	vmul.f32 $2.000000030e-01, v7  }
0x5b: {  	v5 =	vadd.f32 v11, v5;
	v11 =	vld [tilespmem:s29+$0x140];
	(erf) = vpow2.f32 v4  }
0x5c: {  	v15 =	vmul.f32 $2.000000030e-01, v9;
	v4 =	vmax.f32 v7, v12;
	v7 =	vld [tilespmem:s4+$0x100]  }
0x5d: {  	v12 =	vld [tilespmem:s29+$0xFFFFFE40]  }
0x5e: {  	v9 =	vmax.f32 v9, v15;
	v8 =	vadd.f32 v8, v13  }
0x5f: {  	v9 =	vmul.f32 $1.442695020e+00, v9;
	v15 =	vmul.f32 $2.000000030e-01, v5  }
0x60: {  	s12 =	simm.s32 $0x380;
	v10 =	vadd.f32 v14, v10;
	v13 =	vmul.f32 $2.000000030e-01, v8;
	v4 =	vmul.f32 $1.442695020e+00, v4  }
0x61: {  	v5 =	vmax.f32 v5, v15;
	v7 =	vadd.f32 v7, v11;
	v11 =	vor.u32 s12, v0  }
0x62: {  	s16 =	simm.s32 $0x4750;
	(erf) = vpow2.f32 v4;
	v4 =	vmul.f32 $2.000000030e-01, v10;
	v6 =	vadd.f32 v6, v12  }
0x63: {  	s25 =	simm.s32 $0x8300;
	v34 =	vld [tilespmem:s16+$0x180];
	v8 =	vmax.f32 v8, v13;
	(erf) = vpow2.f32 v9;
	v9 =	vmul.f32 $2.000000030e-01, v7  }
0x64: {  	s26 =	simm.s32 $0x700;
	v35 =	vld [tilespmem:s16+$0xFFFFFE00];
	v5 =	vmul.f32 $1.442695020e+00, v5;
	v4 =	vmax.f32 v10, v4;
	v10 =	vmul.f32 $2.000000030e-01, v6;
	v13 =	vpop (erf)  }
0x65: {  	v36 =	vld [tilespmem:s26+$0xFFFFFEC0];
	v8 =	vmul.f32 $1.442695020e+00, v8;
	v7 =	vmax.f32 v7, v9;
	[tilespmem:s25+$0x1C0] =	vst v13  }
0x66: {  	(erf) = vpow2.f32 v5;
	v5 =	vmax.f32 v6, v10;
	v6 =	vmul.f32 $1.442695020e+00, v7;
	v7 =	vld.idx.msk [tilespmem:v11+s23+$0x0], $0xffff  }
0x67: {  	v4 =	vmul.f32 $1.442695020e+00, v4;
	(erf) = vpow2.f32 v8;
	v8 =	vld [tilespmem:s29+$0x180]  }
0x68: {  	s9 =	simm.s32 $0x80;
	v23 =	vld [tilespmem:s16+$0xFFFFFE80];
	v5 =	vmul.f32 $1.442695020e+00, v5  }
0x69: {  	v24 =	vld [tilespmem:s26+$0xFFFFFF40];
	v12 =	vor.u32 s9, v0;
	(erf) = vpow2.f32 v4  }
0x6a: {  	s10 =	simm.s32 $0x100;
	v25 =	vld [tilespmem:s16+$0xFFFFFF00];
	(erf) = vpow2.f32 v6  }
0x6b: {  	v37 =	vld [tilespmem:s26+$0xFFFFFFC0];
	v4 =	vor.u32 s10, v0  }
0x6c: {  	v28 =	vld [tilespmem:s16+$0xFFFFFF80];
	(erf) = vpow2.f32 v5;
	v5 =	vpop (erf);
	v7 =	vmul.f32 v8, v7  }
0x6d: {  	v38 =	vld [tilespmem:s16+$0x0];
	[tilespmem:s25+$0xFFFFFEC0] =	vst v5;
	v5 =	vor.u32 s12, v1  }
0x6e: {  	s11 =	simm.s32 $0x180;
	v9 =	vpop (erf);
	v6 =	vld.idx.msk [tilespmem:v12+s23+$0x0], $0xffff  }
0x6f: {  	s28 =	simm.s32 $0x300;
	v10 =	vor.u32 s11, v0;
	v11 =	vld [tilespmem:s29+$0xFFFFFE80];
	[tilespmem:s25+$0xFFFFFF40] =	vst v9  }
0x70: {  	v15 =	vor.u32 s28, v0;
	v4 =	vld.idx.msk [tilespmem:v4+s23+$0x0], $0xffff;
	[tilespmem:s25+$0x180] =	vst v7;
	v7 =	vpop (erf)  }
0x71: {  	s14 =	simm.s32 $0x0;
	v12 =	vld [tilespmem:s29+$0xFFFFFF00];
	v14 =	vpop (erf)  }
0x72: {  	v13 =	vor.u32 s14, v0;
	v5 =	vld.idx.msk [tilespmem:v5+s23+$0x0], $0xffff;
	[tilespmem:s25+$0xFFFFFFC0] =	vst v7;
	v16 =	vpop (erf)  }
0x73: {  	s30 =	simm.s32 $0x200;
	v7 =	vld [tilespmem:s29+$0x190];
	[tilespmem:s25+$0x40] =	vst v14;
	v14 =	vpop (erf)  }
0x74: {  	v8 =	vor.u32 s30, v0;
	v10 =	vld.idx.msk [tilespmem:v10+s23+$0x0], $0xffff;
	[tilespmem:s25+$0x140] =	vst v14  }
0x75: {  	s13 =	simm.s32 $0x280;
	[tilespmem:s25+$0xC0] =	vst v16;
	v16 =	vpop (erf);
	v14 =	vld.idx.msk [tilespmem:v15+s23+$0x0], $0xffff  }
0x76: {  	v9 =	vor.u32 s13, v0;
	[tilespmem:s25+$0xFFFFFE40] =	vst v16;
	v15 =	vld [tilespmem:s29+$0xFFFFFF80]  }
0x77: {  	v13 =	vld.idx.msk [tilespmem:v13+s23+$0x0], $0xffff  }
0x78: {  	v5 =	vmul.f32 v7, v5;
	v7 =	vld [tilespmem:s29+$0xFFFFFE00]  }
0x79: {  	v8 =	vld.idx.msk [tilespmem:v8+s23+$0x0], $0xffff  }
0x7a: {  	v6 =	vmul.f32 v11, v6;
	v11 =	vld [tilespmem:s29+$0x0];
	v16 =	vor.u32 s12, v2  }
0x7b: {  	v19 =	vor.u32 s10, v1;
	v9 =	vld.idx.msk [tilespmem:v9+s23+$0x0], $0xffff  }
0x7c: {  	v17 =	vor.u32 s14, v1;
	v4 =	vmul.f32 v12, v4;
	v12 =	vld [tilespmem:s29+$0x100]  }
0x7d: {  	[tilespmem:s25+$0x190] =	vst v5;
	v10 =	vmul.f32 v15, v10;
	v7 =	vmul.f32 v7, v13;
	v13 =	vld [tilespmem:s29+$0x80]  }
0x7e: {  	[tilespmem:s25+$0xFFFFFF00] =	vst v4;
	v18 =	vld [tilespmem:s29+$0x1A0];
	v15 =	vor.u32 s30, v1  }
0x7f: {  	v16 =	vld.idx.msk [tilespmem:v16+s23+$0x0], $0xffff;
	[tilespmem:s25+$0xFFFFFF80] =	vst v10  }
0x80: {  	v8 =	vmul.f32 v11, v8;
	v10 =	vld.idx.msk [tilespmem:v19+s23+$0x0], $0xffff;
	[tilespmem:s25+$0xFFFFFE00] =	vst v7  }
0x81: {  	v5 =	vor.u32 s9, v1;
	v4 =	vld.idx.msk [tilespmem:v17+s23+$0x0], $0xffff  }
0x82: {  	[tilespmem:s25+$0x0] =	vst v8;
	v9 =	vmul.f32 v13, v9;
	v13 =	vld [tilespmem:s29+$0xFFFFFE10]  }
0x83: {  	v8 =	vld.idx.msk [tilespmem:v15+s23+$0x0], $0xffff;
	v15 =	vor.u32 s28, v1  }
0x84: {  	v12 =	vmul.f32 v12, v14;
	v17 =	vld [tilespmem:s29+$0xFFFFFF10]  }
0x85: {  	v20 =	vor.u32 s11, v1;
	[tilespmem:s25+$0xFFFFFE80] =	vst v6;
	v33 =	vld [tilespmem:s29+$0x10]  }
0x86: {  	[tilespmem:s25+$0x100] =	vst v12;
	v7 =	vld.idx.msk [tilespmem:v5+s23+$0x0], $0xffff  }
0x87: {  	v22 =	vld [tilespmem:s29+$0x110];
	v5 =	vmul.f32 v18, v16;
	v16 =	vor.u32 s13, v1;
	v4 =	vmul.f32 v13, v4  }
0x88: {  	v15 =	vld.idx.msk [tilespmem:v15+s23+$0x0], $0xffff  }
0x89: {  	v39 =	vld [tilespmem:s26+$0xC0];
	v18 =	vor.u32 s14, v2;
	[tilespmem:s25+$0xFFFFFE10] =	vst v4;
	v4 =	vmul.f32 v17, v10  }
0x8a: {  	v11 =	vld.idx.msk [tilespmem:v20+s23+$0x0], $0xffff;
	[tilespmem:s25+$0x80] =	vst v9  }
0x8b: {  	v14 =	vld [tilespmem:s29+$0xFFFFFF90];
	[tilespmem:s25+$0xFFFFFF10] =	vst v4;
	v4 =	vmul.f32 v33, v8  }
0x8c: {  	v9 =	vld.idx.msk [tilespmem:v16+s23+$0x0], $0xffff  }
0x8d: {  	v6 =	vor.u32 s12, v3;
	v16 =	vld [tilespmem:s29+$0xFFFFFE90];
	[tilespmem:s25+$0x10] =	vst v4;
	v4 =	vmul.f32 v22, v15  }
0x8e: {  	v17 =	vld.idx.msk [tilespmem:v18+s23+$0x0], $0xffff  }
0x8f: {  	v21 =	vor.u32 s10, v2;
	[tilespmem:s25+$0x110] =	vst v4;
	v4 =	vld [tilespmem:s29+$0xFFFFFE20]  }
0x90: {  	v41 =	vld [tilespmem:s16+$0x80]  }
0x91: {  	v43 =	vld [tilespmem:s26+$0x140];
	[tilespmem:s25+$0x1A0] =	vst v5  }
0x92: {  	v19 =	vor.u32 s9, v2;
	v5 =	vld.idx.msk [tilespmem:v6+s23+$0x0], $0xffff;
	v7 =	vmul.f32 v16, v7  }
0x93: {  	v12 =	vld [tilespmem:s29+$0x90];
	v13 =	vor.u32 s11, v2  }
0x94: {  	v16 =	vor.u32 s30, v2;
	[tilespmem:s25+$0xFFFFFE90] =	vst v7;
	v7 =	vmul.f32 v14, v11;
	v14 =	vld.idx.msk [tilespmem:v21+s23+$0x0], $0xffff;
	v4 =	vmul.f32 v4, v17  }
0x95: {  	v15 =	vld [tilespmem:s29+$0xFFFFFF20]  }
0x96: {  	[tilespmem:s25+$0xFFFFFE20] =	vst v4;
	v4 =	vld [tilespmem:s26+$0x1C0]  }
0x97: {  	v11 =	vld.idx.msk [tilespmem:v19+s23+$0x0], $0xffff;
	[tilespmem:s25+$0xFFFFFF90] =	vst v7  }
0x98: {  	v8 =	vor.u32 s28, v2;
	v7 =	vmul.f32 v12, v9;
	v9 =	vld.idx.msk [tilespmem:v13+s23+$0x0], $0xffff  }
0x99: {  	v10 =	vor.u32 s13, v2;
	v12 =	vld.idx.msk [tilespmem:v16+s23+$0x0], $0xffff  }
0x9a: {  	v13 =	vld [tilespmem:s29+$0xFFFFFEA0]  }
0x9b: {  	v16 =	vld [tilespmem:s29+$0xFFFFFFA0];
	v4 =	vadd.f32 v34, v4  }
0x9c: {  	v18 =	vld [tilespmem:s29+$0x20]  }
0x9d: {  	v8 =	vld.idx.msk [tilespmem:v8+s23+$0x0], $0xffff;
	[tilespmem:s25+$0x90] =	vst v7;
	v29 =	vmul.f32 $2.000000030e-01, v4  }
0x9e: {  	v26 =	vor.u32 s13, v3;
	v30 =	vor.u32 s10, v3;
	v10 =	vld.idx.msk [tilespmem:v10+s23+$0x0], $0xffff;
	v14 =	vmul.f32 v15, v14  }
0x9f: {  	v15 =	vadd.f32 v23, v36;
	v17 =	vld [tilespmem:s29+$0xA0];
	v11 =	vmul.f32 v13, v11;
	v4 =	vmax.f32 v4, v29  }
0xa0: {  	v19 =	vld [tilespmem:s29+$0x120];
	v7 =	vor.u32 s14, v3;
	v9 =	vmul.f32 v16, v9;
	v4 =	vmul.f32 $1.442695020e+00, v4  }
0xa1: {  	v13 =	vld [tilespmem:s26+$0x40];
	v16 =	vadd.f32 v25, v24;
	v12 =	vmul.f32 v18, v12;
	v18 =	vmul.f32 $2.000000030e-01, v15  }
0xa2: {  	v31 =	vor.u32 s11, v3;
	v40 =	vor.u32 s30, v3;
	v6 =	vld [tilespmem:s29+$0x1B0];
	(erf) = vpow2.f32 v4  }
0xa3: {  	v20 =	vadd.f32 v28, v37;
	[tilespmem:s25+$0xFFFFFF20] =	vst v14;
	v42 =	vmul.f32 $2.000000030e-01, v16;
	v15 =	vmax.f32 v15, v18;
	v18 =	vld [tilespmem:s26+$0xFFFFFE40]  }
0xa4: {  	v27 =	vor.u32 s9, v3;
	v45 =	vadd.f32 v41, v39;
	[tilespmem:s25+$0xFFFFFEA0] =	vst v11;
	v4 =	vmul.f32 v17, v10;
	v17 =	vld [tilespmem:s16+$0x100]  }
0xa5: {  	v7 =	vld.idx.msk [tilespmem:v7+s23+$0x0], $0xffff;
	[tilespmem:s25+$0xFFFFFFA0] =	vst v9;
	v14 =	vmul.f32 $1.442695020e+00, v15;
	v11 =	vmax.f32 v16, v42;
	v16 =	vmul.f32 $2.000000030e-01, v20  }
0xa6: {  	s4 =	simm.s32 $0x780;
	v9 =	vld.idx.msk [tilespmem:v30+s23+$0x0], $0xffff;
	[tilespmem:s25+$0x20] =	vst v12;
	v13 =	vadd.f32 v38, v13;
	v10 =	vmul.f32 v19, v8;
	v19 =	vor.u32 s28, v3  }
0xa7: {  	v46 =	vor.u32 s4, v0;
	v12 =	vld.idx.msk [tilespmem:v40+s23+$0x0], $0xffff;
	v15 =	vmul.f32 $1.442695020e+00, v11;
	v16 =	vmax.f32 v20, v16  }
0xa8: {  	v22 =	vld [tilespmem:s29+$0x30];
	v44 =	vmul.f32 $2.000000030e-01, v13;
	v18 =	vadd.f32 v35, v18;
	(erf) = vpow2.f32 v14  }
0xa9: {  	v11 =	vld.idx.msk [tilespmem:v31+s23+$0x0], $0xffff;
	v16 =	vmul.f32 $1.442695020e+00, v16;
	v14 =	vmul.f32 $2.000000030e-01, v45;
	v17 =	vadd.f32 v17, v43  }
0xaa: {  	v20 =	vld [tilespmem:s29+$0xFFFFFF30];
	v13 =	vmax.f32 v13, v44;
	v47 =	vmul.f32 $2.000000030e-01, v18;
	[tilespmem:s25+$0x120] =	vst v10;
	(erf) = vpow2.f32 v15  }
0xab: {  	s28 =	simm.s32 $0x8700;
	[tilespmem:s25+$0xA0] =	vst v4;
	v15 =	vmul.f32 $1.442695020e+00, v13;
	v14 =	vmax.f32 v45, v14;
	v4 =	vld.idx.msk [tilespmem:v19+s23+$0x0], $0xffff;
	v19 =	vmul.f32 $2.000000030e-01, v17;
	v49 =	vpop (erf)  }
0xac: {  	v8 =	vld.idx.msk [tilespmem:v27+s23+$0x0], $0xffff;
	(erf) = vpow2.f32 v16;
	v16 =	vmax.f32 v18, v47;
	v50 =	vmul.f32 $1.442695020e+00, v14;
	[tilespmem:s28+$0x1C0] =	vst v49  }
0xad: {  	s9 =	simm.s32 $0x480;
	(erf) = vpow2.f32 v15;
	v15 =	vmul.f32 $1.442695020e+00, v16;
	v17 =	vmax.f32 v17, v19;
	v18 =	vld.idx.msk [tilespmem:v46+s23+$0x0], $0xffff  }
0xae: {  	v48 =	vor.u32 s9, v0;
	v17 =	vmul.f32 $1.442695020e+00, v17;
	v16 =	vld [tilespmem:s26+$0x180]  }
0xaf: {  	s30 =	simm.s32 $0x500;
	v13 =	vld [tilespmem:s29+$0xFFFFFE30];
	(erf) = vpow2.f32 v50  }
0xb0: {  	v10 =	vld.idx.msk [tilespmem:v26+s23+$0x0], $0xffff;
	v19 =	vor.u32 s30, v0;
	(erf) = vpow2.f32 v17  }
0xb1: {  	v14 =	vld [tilespmem:s29+$0xFFFFFEB0];
	(erf) = vpow2.f32 v15;
	v15 =	vpop (erf)  }
0xb2: {  	v17 =	vld [tilespmem:s29+$0xFFFFFFB0];
	[tilespmem:s28+$0xFFFFFEC0] =	vst v15;
	v15 =	vor.u32 s4, v1  }
0xb3: {  	s31 =	simm.s32 $0x580;
	v51 =	vpop (erf);
	v21 =	vld.idx.msk [tilespmem:v48+s23+$0x0], $0xffff;
	v16 =	vmul.f32 v16, v18  }
0xb4: {  	v52 =	vor.u32 s31, v0;
	v53 =	vld [tilespmem:s26+$0xFFFFFE80];
	[tilespmem:s28+$0xFFFFFF40] =	vst v51  }
0xb5: {  	s10 =	simm.s32 $0x600;
	v19 =	vld.idx.msk [tilespmem:v19+s23+$0x0], $0xffff  }
0xb6: {  	v18 =	vor.u32 s10, v0;
	v55 =	vld [tilespmem:s26+$0xFFFFFF00];
	[tilespmem:s28+$0x180] =	vst v16  }
0xb7: {  	v15 =	vld.idx.msk [tilespmem:v15+s23+$0x0], $0xffff;
	v16 =	vpop (erf)  }
0xb8: {  	s11 =	simm.s32 $0x680;
	[tilespmem:s28+$0xFFFFFFC0] =	vst v16;
	v16 =	vld [tilespmem:s26+$0x190]  }
0xb9: {  	v54 =	vor.u32 s11, v0;
	v57 =	vpop (erf);
	v24 =	vld.idx.msk [tilespmem:v52+s23+$0x0], $0xffff  }
0xba: {  	v21 =	vmul.f32 v53, v21;
	[tilespmem:s28+$0x40] =	vst v57;
	v63 =	vld [tilespmem:s26+$0xFFFFFF80]  }
0xbb: {  	v33 =	vor.u32 s30, v1;
	v18 =	vld.idx.msk [tilespmem:v18+s23+$0x0], $0xffff  }
0xbc: {  	s16 =	simm.s32 $0x700;
	v59 =	vpop (erf);
	[tilespmem:s28+$0xFFFFFE80] =	vst v21;
	v37 =	vld [tilespmem:s26+$0x0]  }
0xbd: {  	v58 =	vor.u32 s16, v0;
	v19 =	vmul.f32 v55, v19;
	[tilespmem:s28+$0xC0] =	vst v59;
	v49 =	vld [tilespmem:s26+$0xFFFFFE90]  }
0xbe: {  	v23 =	vld.idx.msk [tilespmem:v54+s23+$0x0], $0xffff  }
0xbf: {  	s14 =	simm.s32 $0x400;
	[tilespmem:s28+$0xFFFFFF00] =	vst v19;
	v38 =	vld [tilespmem:s26+$0x80]  }
0xc0: {  	v56 =	vor.u32 s14, v0;
	v60 =	vpop (erf);
	v43 =	vld.idx.msk [tilespmem:v33+s23+$0x0], $0xffff  }
0xc1: {  	[tilespmem:s28+$0x140] =	vst v60;
	v50 =	vld [tilespmem:s26+$0xFFFFFF10]  }
0xc2: {  	v62 =	vor.u32 s4, v2;
	v28 =	vld.idx.msk [tilespmem:v58+s23+$0x0], $0xffff  }
0xc3: {  	v61 =	vpop (erf);
	v39 =	vld [tilespmem:s26+$0x100]  }
0xc4: {  	v34 =	vor.u32 s31, v1;
	[tilespmem:s28+$0xFFFFFE40] =	vst v61;
	v58 =	vld [tilespmem:s29+$0xB0];
	v15 =	vmul.f32 v16, v15  }
0xc5: {  	v27 =	vld.idx.msk [tilespmem:v56+s23+$0x0], $0xffff  }
0xc6: {  	v16 =	vld [tilespmem:s26+$0xFFFFFE00];
	v24 =	vmul.f32 v63, v24;
	[tilespmem:s28+$0x190] =	vst v15  }
0xc7: {  	v42 =	vor.u32 s11, v1;
	v30 =	vld.idx.msk [tilespmem:v62+s23+$0x0], $0xffff  }
0xc8: {  	v18 =	vmul.f32 v37, v18;
	v32 =	vld [tilespmem:s26+$0x1A0];
	[tilespmem:s28+$0xFFFFFF80] =	vst v24  }
0xc9: {  	v15 =	vor.u32 s9, v1;
	v23 =	vmul.f32 v38, v23;
	v45 =	vld.idx.msk [tilespmem:v34+s23+$0x0], $0xffff  }
0xca: {  	v36 =	vor.u32 s14, v1;
	[tilespmem:s28+$0x0] =	vst v18;
	v18 =	vmul.f32 v39, v28;
	v52 =	vld [tilespmem:s26+$0xFFFFFF90]  }
0xcb: {  	[tilespmem:s28+$0x80] =	vst v23;
	v54 =	vld [tilespmem:s26+$0x10]  }
0xcc: {  	v44 =	vor.u32 s16, v1;
	v16 =	vmul.f32 v16, v27;
	[tilespmem:s28+$0x100] =	vst v18;
	v18 =	vld.idx.msk [tilespmem:v42+s23+$0x0], $0xffff  }
0xcd: {  	v56 =	vld [tilespmem:s26+$0x90]  }
0xce: {  	v40 =	vor.u32 s4, v3;
	[tilespmem:s28+$0xFFFFFE00] =	vst v16;
	v15 =	vld.idx.msk [tilespmem:v15+s23+$0x0], $0xffff  }
0xcf: {  	v19 =	vld.idx.msk [tilespmem:v36+s23+$0x0], $0xffff  }
0xd0: {  	v16 =	vor.u32 s10, v1;
	v41 =	vmul.f32 v32, v30;
	v48 =	vld [tilespmem:s26+$0xFFFFFE10]  }
0xd1: {  	v53 =	vor.u32 s9, v2;
	v47 =	vld.idx.msk [tilespmem:v44+s23+$0x0], $0xffff  }
0xd2: {  	v5 =	vmul.f32 v6, v5;
	v57 =	vld [tilespmem:s26+$0x110];
	[tilespmem:s28+$0x1A0] =	vst v41  }
0xd3: {  	v51 =	vor.u32 s14, v2;
	v26 =	vld.idx.msk [tilespmem:v40+s23+$0x0], $0xffff;
	v15 =	vmul.f32 v49, v15  }
0xd4: {  	[tilespmem:s25+$0x1B0] =	vst v5;
	v5 =	vmul.f32 v14, v8;
	v46 =	vld [tilespmem:s26+$0x1B0]  }
0xd5: {  	v35 =	vor.u32 s31, v2;
	v16 =	vld.idx.msk [tilespmem:v16+s23+$0x0], $0xffff;
	v19 =	vmul.f32 v48, v19;
	[tilespmem:s28+$0xFFFFFE90] =	vst v15  }
0xd6: {  	v6 =	vmul.f32 v13, v7;
	[tilespmem:s25+$0xFFFFFEB0] =	vst v5;
	v55 =	vor.u32 s30, v2;
	v61 =	vld.idx.msk [tilespmem:v53+s23+$0x0], $0xffff  }
0xd7: {  	v15 =	vmul.f32 v52, v45;
	[tilespmem:s28+$0xFFFFFE10] =	vst v19;
	v5 =	vld [tilespmem:s26+$0xFFFFFEA0]  }
0xd8: {  	[tilespmem:s25+$0xFFFFFE30] =	vst v6;
	v19 =	vmul.f32 v50, v43;
	v30 =	vld.idx.msk [tilespmem:v51+s23+$0x0], $0xffff  }
0xd9: {  	v59 =	vor.u32 s11, v2;
	[tilespmem:s28+$0xFFFFFF90] =	vst v15;
	v6 =	vld [tilespmem:s26+$0xFFFFFE20]  }
0xda: {  	v7 =	vmul.f32 v20, v9;
	v15 =	vmul.f32 v56, v18;
	[tilespmem:s28+$0xFFFFFF10] =	vst v19;
	v18 =	vld.idx.msk [tilespmem:v35+s23+$0x0], $0xffff  }
0xdb: {  	v36 =	vor.u32 s10, v2;
	v19 =	vld.idx.msk [tilespmem:v55+s23+$0x0], $0xffff  }
0xdc: {  	v9 =	vmul.f32 v22, v12;
	[tilespmem:s25+$0xFFFFFF30] =	vst v7;
	v7 =	vld [tilespmem:s26+$0xFFFFFF20]  }
0xdd: {  	v60 =	vor.u32 s16, v2;
	v16 =	vmul.f32 v54, v16;
	[tilespmem:s28+$0x90] =	vst v15;
	v15 =	vld [tilespmem:s26+$0xFFFFFFA0]  }
0xde: {  	[tilespmem:s25+$0x30] =	vst v9;
	v8 =	vmul.f32 v17, v11;
	v13 =	vld.idx.msk [tilespmem:v59+s23+$0x0], $0xffff  }
0xdf: {  	[tilespmem:s28+$0x10] =	vst v16;
	v16 =	vmul.f32 v57, v47;
	v17 =	vld [tilespmem:s26+$0xA0]  }
0xe0: {  	[tilespmem:s25+$0xFFFFFFB0] =	vst v8;
	v9 =	vmul.f32 v58, v10;
	v62 =	vld.idx.msk [tilespmem:v36+s23+$0x0], $0xffff  }
0xe1: {  	v11 =	vor.u32 s14, v3;
	v8 =	vmul.f32 v46, v26;
	v10 =	vld [tilespmem:s26+$0x20];
	[tilespmem:s28+$0x110] =	vst v16  }
0xe2: {  	[tilespmem:s25+$0xB0] =	vst v9;
	v5 =	vmul.f32 v5, v61;
	v16 =	vor.u32 s9, v3;
	v14 =	vld.idx.msk [tilespmem:v60+s23+$0x0], $0xffff  }
0xe3: {  	[tilespmem:s28+$0x1B0] =	vst v8;
	v6 =	vmul.f32 v6, v30;
	v63 =	vld [tilespmem:s26+$0x120]  }
0xe4: {  	v12 =	vld [tilespmem:s29+$0x130];
	s29 =	simm.s32 $0xB00;
	[tilespmem:s28+$0xFFFFFEA0] =	vst v5;
	v8 =	vmul.f32 v7, v19  }
0xe5: {  	[tilespmem:s28+$0xFFFFFE20] =	vst v6;
	v18 =	vmul.f32 v15, v18;
	v15 =	vld [tilespmem:s29+$0x1C0]  }
0xe6: {  	v9 =	vor.u32 s10, v3;
	v6 =	vld.idx.msk [tilespmem:v11+s23+$0x0], $0xffff;
	[tilespmem:s28+$0xFFFFFF20] =	vst v8;
	v19 =	vmul.f32 v10, v62  }
0xe7: {  	v7 =	vor.u32 s11, v3;
	v13 =	vmul.f32 v17, v13;
	v10 =	vor.u32 s31, v3;
	[tilespmem:s28+$0xFFFFFFA0] =	vst v18;
	s31 =	simm.s32 $0x4B50;
	v5 =	vld.idx.msk [tilespmem:v16+s23+$0x0], $0xffff  }
0xe8: {  	s0 =	simm.s32 $0x18;
	v11 =	vor.u32 s30, v3;
	s30 =	simm.s32 $0x10;
	v8 =	vor.u32 s16, v3;
	v16 =	vld [tilespmem:s31+$0x180];
	[tilespmem:s28+$0x20] =	vst v19;
	v14 =	vmul.f32 v63, v14  }
.LBB2_4:
0xe9: {  	p1 =	slt.u32 s0, $0x78;
	v17 =	vld [tilespmem:s31+$0xFFFFFE00];
	[tilespmem:s28+$0xA0] =	vst v13;
	v4 =	vmul.f32 v12, v4  }
0xea: {  	v12 =	vld [tilespmem:s29+$0xFFFFFEC0];
	[tilespmem:s28+$0x120] =	vst v14  }
0xeb: {  	v13 =	vld [tilespmem:s31+$0xFFFFFE80];
	[tilespmem:s25+$0x130] =	vst v4;
	s25 =	smov.u32 s28  }
0xec: {  	v4 =	vld [tilespmem:s29+$0xFFFFFF40]  }
0xed: {  	v14 =	vld [tilespmem:s31+$0xFFFFFF00];
	v15 =	vadd.f32 v16, v15  }
0xee: {  	v16 =	vld [tilespmem:s29+$0xFFFFFFC0]  }
0xef: {  	v18 =	vld [tilespmem:s31+$0xFFFFFF80];
	v19 =	vmul.f32 $2.000000030e-01, v15  }
0xf0: {  	v12 =	vadd.f32 v13, v12;
	v13 =	vld [tilespmem:s29+$0x40]  }
0xf1: {  	v20 =	vld [tilespmem:s31+$0x0];
	v15 =	vmax.f32 v15, v19  }
0xf2: {  	v19 =	vmul.f32 $2.000000030e-01, v12;
	v4 =	vadd.f32 v14, v4;
	v14 =	vld [tilespmem:s29+$0xC0];
	v15 =	vmul.f32 $1.442695020e+00, v15  }
0xf3: {  	v21 =	vld [tilespmem:s31+$0x80]  }
0xf4: {  	v22 =	vmul.f32 $2.000000030e-01, v4;
	v16 =	vadd.f32 v18, v16;
	v18 =	vld [tilespmem:s29+$0x140];
	(erf) = vpow2.f32 v15  }
0xf5: {  	v12 =	vmax.f32 v12, v19;
	v15 =	vld [tilespmem:s31+$0x100]  }
0xf6: {  	v19 =	vld [tilespmem:s29+$0xFFFFFE40];
	v4 =	vmax.f32 v4, v22;
	v22 =	vmul.f32 $2.000000030e-01, v16;
	v13 =	vadd.f32 v20, v13  }
0xf7: {  	v12 =	vmul.f32 $1.442695020e+00, v12;
	v4 =	vmul.f32 $1.442695020e+00, v4;
	v23 =	vld.idx.msk [tilespmem:v11+s23+$0x0], $0xffff  }
0xf8: {  	s4 =	sshll.u32 s30, $0x7;
	s30 =	smov.u32 s0;
	v11 =	vmax.f32 v16, v22;
	v16 =	vmul.f32 $2.000000030e-01, v13;
	v14 =	vadd.f32 v21, v14;
	v21 =	vld.idx.msk [tilespmem:v10+s23+$0x0], $0xffff  }
0xf9: {  	s13 =	sadd.s32 $0x80, s4;
	s12 =	sadd.s32 $0x100, s4;
	s9 =	sadd.s32 $0x380, s4;
	v22 =	vor.u32 s4, v0;
	v10 =	vmul.f32 $1.442695020e+00, v11;
	(erf) = vpow2.f32 v12;
	v24 =	vld.idx.msk [tilespmem:v9+s23+$0x0], $0xffff  }
0xfa: {  	s14 =	sadd.s32 $0x180, s4;
	s11 =	sadd.s32 $0x200, s4;
	s10 =	sadd.s32 $0x280, s4;
	v9 =	vmul.f32 $2.000000030e-01, v14;
	v11 =	vadd.f32 v15, v18;
	v15 =	vor.u32 s9, v0;
	v12 =	vld.idx.msk [tilespmem:v7+s23+$0x0], $0xffff  }
0xfb: {  	s16 =	sadd.s32 $0x300, s4;
	s28 =	sadd.s32 $0x400, s28;
	v13 =	vmax.f32 v13, v16;
	v7 =	vadd.f32 v17, v19;
	(erf) = vpow2.f32 v4;
	v4 =	vld.idx.msk [tilespmem:v8+s23+$0x0], $0xffff  }
0xfc: {  	v8 =	vmul.f32 $1.442695020e+00, v13;
	v9 =	vmax.f32 v14, v9;
	v13 =	vmul.f32 $2.000000030e-01, v11;
	v25 =	vld [tilespmem:s26+$0xFFFFFE30]  }
0xfd: {  	v16 =	vor.u32 s13, v0;
	v14 =	vmul.f32 $2.000000030e-01, v7;
	v9 =	vmul.f32 $1.442695020e+00, v9;
	v17 =	vpop (erf);
	v26 =	vld [tilespmem:s26+$0xFFFFFEB0]  }
0xfe: {  	v18 =	vor.u32 s12, v0;
	v11 =	vmax.f32 v11, v13;
	[tilespmem:s28+$0x1C0] =	vst v17;
	(erf) = vpow2.f32 v10;
	v27 =	vld [tilespmem:s26+$0xFFFFFF30]  }
0xff: {  	v7 =	vmax.f32 v7, v14;
	v10 =	vmul.f32 $1.442695020e+00, v11;
	v11 =	vld.idx.msk [tilespmem:v15+s23+$0x0], $0xffff;
	(erf) = vpow2.f32 v8  }
0x100: {  	v8 =	vor.u32 s14, v0;
	v14 =	vmul.f32 $1.442695020e+00, v7;
	v13 =	vld [tilespmem:s29+$0x180];
	(erf) = vpow2.f32 v9  }
0x101: {  	v28 =	vor.u32 s11, v0;
	v29 =	vor.u32 s10, v0;
	(erf) = vpow2.f32 v10;
	v30 =	vld [tilespmem:s26+$0xFFFFFFB0]  }
0x102: {  	v31 =	vor.u32 s13, v1;
	v32 =	vor.u32 s16, v0;
	(erf) = vpow2.f32 v14;
	v7 =	vpop (erf);
	v33 =	vld [tilespmem:s26+$0x30]  }
0x103: {  	v34 =	vor.u32 s12, v1;
	v35 =	vor.u32 s14, v1;
	v9 =	vor.u32 s9, v1;
	[tilespmem:s28+$0xFFFFFEC0] =	vst v7  }
0x104: {  	v37 =	vor.u32 s11, v1;
	v38 =	vor.u32 s10, v1;
	v39 =	vor.u32 s16, v1;
	v36 =	vld.idx.msk [tilespmem:v16+s23+$0x0], $0xffff;
	v7 =	vpop (erf)  }
0x105: {  	v40 =	vor.u32 s4, v1;
	v19 =	vor.u32 s13, v2;
	v41 =	vld [tilespmem:s29+$0xFFFFFE80];
	[tilespmem:s28+$0xFFFFFF40] =	vst v7;
	v11 =	vmul.f32 v13, v11  }
0x106: {  	v20 =	vor.u32 s12, v2;
	v17 =	vor.u32 s11, v2;
	v42 =	vld.idx.msk [tilespmem:v18+s23+$0x0], $0xffff;
	v18 =	vor.u32 s14, v2  }
0x107: {  	v15 =	vor.u32 s16, v2;
	v16 =	vor.u32 s10, v2;
	v7 =	vor.u32 s10, v3;
	v43 =	vld [tilespmem:s29+$0xFFFFFF00];
	[tilespmem:s28+$0x180] =	vst v11;
	v10 =	vpop (erf)  }
0x108: {  	v44 =	vor.u32 s4, v2;
	v14 =	vor.u32 s4, v3;
	v13 =	vor.u32 s13, v3;
	[tilespmem:s28+$0xFFFFFFC0] =	vst v10;
	v45 =	vld.idx.msk [tilespmem:v9+s23+$0x0], $0xffff;
	v9 =	vpop (erf)  }
0x109: {  	v6 =	vmul.f32 v25, v6;
	v11 =	vor.u32 s12, v3;
	v10 =	vor.u32 s14, v3;
	[tilespmem:s28+$0x40] =	vst v9;
	v46 =	vld [tilespmem:s29+$0x190];
	v47 =	vpop (erf)  }
0x10a: {  	v9 =	vor.u32 s11, v3;
	v25 =	vmul.f32 v41, v36;
	v36 =	vld.idx.msk [tilespmem:v8+s23+$0x0], $0xffff;
	[tilespmem:s28+$0xC0] =	vst v47;
	v8 =	vor.u32 s16, v3;
	v41 =	vpop (erf)  }
0x10b: {  	v5 =	vmul.f32 v26, v5;
	v23 =	vmul.f32 v27, v23;
	v28 =	vld.idx.msk [tilespmem:v28+s23+$0x0], $0xffff;
	[tilespmem:s28+$0x140] =	vst v41;
	v41 =	vpop (erf)  }
0x10c: {  	v21 =	vmul.f32 v30, v21;
	[tilespmem:s28+$0xFFFFFE40] =	vst v41;
	v26 =	vmul.f32 v43, v42;
	v27 =	vld.idx.msk [tilespmem:v29+s23+$0x0], $0xffff;
	v29 =	vor.u32 s9, v2  }
0x10d: {  	v24 =	vmul.f32 v33, v24;
	v22 =	vld.idx.msk [tilespmem:v22+s23+$0x0], $0xffff;
	[tilespmem:s28+$0xFFFFFE80] =	vst v25  }
0x10e: {  	[tilespmem:s28+$0xFFFFFF00] =	vst v26;
	v25 =	vld.idx.msk [tilespmem:v32+s23+$0x0], $0xffff;
	v26 =	vmul.f32 v46, v45  }
0x10f: {  	v30 =	vld [tilespmem:s29+$0xFFFFFE00];
	[tilespmem:s25+$0xFFFFFE30] =	vst v6  }
0x110: {  	v6 =	vld [tilespmem:s29+$0xFFFFFF80];
	[tilespmem:s28+$0x190] =	vst v26  }
0x111: {  	v26 =	vld.idx.msk [tilespmem:v29+s23+$0x0], $0xffff;
	[tilespmem:s25+$0xFFFFFEB0] =	vst v5  }
0x112: {  	v5 =	vld [tilespmem:s29+$0x1A0];
	[tilespmem:s25+$0xFFFFFF30] =	vst v23  }
0x113: {  	v23 =	vld [tilespmem:s29+$0x0];
	[tilespmem:s25+$0xFFFFFFB0] =	vst v21  }
0x114: {  	v21 =	vmul.f32 v30, v22;
	v22 =	vld [tilespmem:s29+$0x80];
	[tilespmem:s25+$0x30] =	vst v24  }
0x115: {  	v29 =	vor.u32 s9, v3;
	v6 =	vmul.f32 v6, v36;
	v24 =	vld [tilespmem:s29+$0x100]  }
0x116: {  	[tilespmem:s28+$0xFFFFFE00] =	vst v21;
	v21 =	vld.idx.msk [tilespmem:v31+s23+$0x0], $0xffff  }
0x117: {  	v30 =	vld.idx.msk [tilespmem:v40+s23+$0x0], $0xffff;
	[tilespmem:s28+$0xFFFFFF80] =	vst v6;
	v5 =	vmul.f32 v5, v26  }
0x118: {  	v6 =	vld.idx.msk [tilespmem:v34+s23+$0x0], $0xffff;
	v23 =	vmul.f32 v23, v28  }
0x119: {  	v26 =	vld.idx.msk [tilespmem:v35+s23+$0x0], $0xffff;
	v22 =	vmul.f32 v22, v27;
	[tilespmem:s28+$0x1A0] =	vst v5  }
0x11a: {  	[tilespmem:s28+$0x0] =	vst v23;
	v5 =	vmul.f32 v24, v25;
	v23 =	vld.idx.msk [tilespmem:v29+s23+$0x0], $0xffff  }
0x11b: {  	[tilespmem:s28+$0x80] =	vst v22;
	v22 =	vld [tilespmem:s29+$0x1B0]  }
0x11c: {  	v24 =	vld.idx.msk [tilespmem:v37+s23+$0x0], $0xffff;
	[tilespmem:s28+$0x100] =	vst v5  }
0x11d: {  	v5 =	vld.idx.msk [tilespmem:v38+s23+$0x0], $0xffff  }
0x11e: {  	v25 =	vld.idx.msk [tilespmem:v39+s23+$0x0], $0xffff  }
0x11f: {  	v27 =	vld [tilespmem:s29+$0xFFFFFE10]  }
0x120: {  	v28 =	vld [tilespmem:s29+$0xFFFFFE90];
	v22 =	vmul.f32 v22, v23  }
0x121: {  	v23 =	vld [tilespmem:s29+$0xFFFFFF10]  }
0x122: {  	v29 =	vld [tilespmem:s29+$0xFFFFFF90];
	[tilespmem:s28+$0x1B0] =	vst v22  }
0x123: {  	v22 =	vld [tilespmem:s29+$0x10]  }
0x124: {  	v27 =	vmul.f32 v27, v30;
	v30 =	vld [tilespmem:s29+$0x90]  }
0x125: {  	v21 =	vmul.f32 v28, v21;
	v28 =	vld [tilespmem:s29+$0x110]  }
0x126: {  	[tilespmem:s28+$0xFFFFFE10] =	vst v27;
	v6 =	vmul.f32 v23, v6;
	v23 =	vld [tilespmem:s26+$0xB0]  }
0x127: {  	v27 =	vld.idx.msk [tilespmem:v44+s23+$0x0], $0xffff;
	[tilespmem:s28+$0xFFFFFE90] =	vst v21;
	v21 =	vmul.f32 v29, v26  }
0x128: {  	v19 =	vld.idx.msk [tilespmem:v19+s23+$0x0], $0xffff;
	[tilespmem:s28+$0xFFFFFF10] =	vst v6;
	v6 =	vmul.f32 v22, v24  }
0x129: {  	v20 =	vld.idx.msk [tilespmem:v20+s23+$0x0], $0xffff;
	[tilespmem:s28+$0xFFFFFF90] =	vst v21;
	v5 =	vmul.f32 v30, v5  }
0x12a: {  	v18 =	vld.idx.msk [tilespmem:v18+s23+$0x0], $0xffff;
	[tilespmem:s28+$0x10] =	vst v6;
	v6 =	vmul.f32 v28, v25  }
0x12b: {  	v17 =	vld.idx.msk [tilespmem:v17+s23+$0x0], $0xffff;
	[tilespmem:s28+$0x90] =	vst v5;
	v5 =	vmul.f32 v23, v12  }
0x12c: {  	v16 =	vld.idx.msk [tilespmem:v16+s23+$0x0], $0xffff;
	[tilespmem:s28+$0x110] =	vst v6  }
0x12d: {  	v21 =	vld.idx.msk [tilespmem:v15+s23+$0x0], $0xffff;
	[tilespmem:s25+$0xB0] =	vst v5  }
0x12e: {  	v5 =	vld [tilespmem:s29+$0xFFFFFE20]  }
0x12f: {  	v6 =	vld [tilespmem:s29+$0xFFFFFEA0]  }
0x130: {  	v12 =	vld [tilespmem:s29+$0xFFFFFF20]  }
0x131: {  	v15 =	vld [tilespmem:s29+$0xFFFFFFA0]  }
0x132: {  	v22 =	vld [tilespmem:s29+$0x20]  }
0x133: {  	v5 =	vmul.f32 v5, v27;
	v23 =	vld [tilespmem:s29+$0xA0]  }
0x134: {  	v19 =	vmul.f32 v6, v19;
	v24 =	vld [tilespmem:s29+$0x120]  }
.Ltmp5:
0x135: {  	[tilespmem:s28+$0xFFFFFE20] =	vst v5;
	v20 =	vmul.f32 v12, v20;
	v12 =	vld [tilespmem:s26+$0x130];
	s26 =	smov.u32 s29;
	(pc) =	sbr.rel @p1 .LBB2_4-.Ltmp5, $4  }
0x136: {  	v6 =	vld.idx.msk [tilespmem:v14+s23+$0x0], $0xffff;
	[tilespmem:s28+$0xFFFFFEA0] =	vst v19;
	v14 =	vmul.f32 v15, v18  }
0x137: {  	s29 =	sadd.s32 $0x400, s29;
	v5 =	vld.idx.msk [tilespmem:v13+s23+$0x0], $0xffff;
	[tilespmem:s28+$0xFFFFFF20] =	vst v20;
	v17 =	vmul.f32 v22, v17  }
0x138: {  	s31 =	sadd.s32 $0x400, s31;
	v15 =	vld [tilespmem:s29+$0x1C0];
	[tilespmem:s28+$0xFFFFFFA0] =	vst v14;
	v13 =	vmul.f32 v23, v16  }
0x139: {  	s0 =	sadd.s32 $0x8, s0;
	v16 =	vld [tilespmem:s31+$0x180];
	[tilespmem:s28+$0x20] =	vst v17;
	v14 =	vmul.f32 v24, v21  }
0x13a: {  	_ = 	snop  }
0x13b: {  	v17 =	vld [tilespmem:s31+$0xFFFFFE00]  }
0x13c: {  	v18 =	vld [tilespmem:s29+$0xFFFFFEC0]  }
0x13d: {  	v19 =	vld [tilespmem:s31+$0xFFFFFE80]  }
0x13e: {  	v20 =	vld [tilespmem:s29+$0xFFFFFF40];
	v15 =	vadd.f32 v16, v15  }
0x13f: {  	v21 =	vld [tilespmem:s31+$0xFFFFFF00]  }
0x140: {  	v52 =	vld [tilespmem:s29+$0xFFFFFFC0];
	v23 =	vmul.f32 $2.000000030e-01, v15  }
0x141: {  	v22 =	vld [tilespmem:s31+$0xFFFFFF80]  }
0x142: {  	v24 =	vld [tilespmem:s29+$0x40];
	v15 =	vmax.f32 v15, v23  }
0x143: {  	v53 =	vld [tilespmem:s31+$0x0];
	v18 =	vadd.f32 v19, v18;
	v15 =	vmul.f32 $1.442695020e+00, v15  }
0x144: {  	v54 =	vld [tilespmem:s29+$0xC0]  }
0x145: {  	v25 =	vld [tilespmem:s31+$0x80];
	v20 =	vadd.f32 v21, v20;
	v55 =	vmul.f32 $2.000000030e-01, v18;
	(erf) = vpow2.f32 v15  }
0x146: {  	v56 =	vld [tilespmem:s29+$0x140]  }
0x147: {  	v58 =	vld [tilespmem:s31+$0x100];
	s30 =	sshll.u32 s30, $0x7;
	v26 =	vmul.f32 $2.000000030e-01, v20;
	v57 =	vmax.f32 v18, v55  }
0x148: {  	v59 =	vld [tilespmem:s29+$0xFFFFFE40];
	s14 =	sadd.s32 $0x380, s30;
	v15 =	vmul.f32 $1.442695020e+00, v57  }
0x149: {  	v11 =	vld.idx.msk [tilespmem:v11+s23+$0x0], $0xffff;
	v63 =	vor.u32 s14, v0;
	v16 =	vadd.f32 v22, v52;
	v20 =	vmax.f32 v20, v26  }
0x14a: {  	v10 =	vld.idx.msk [tilespmem:v10+s23+$0x0], $0xffff;
	s9 =	sadd.s32 $0x80, s30;
	v19 =	vadd.f32 v53, v24;
	v20 =	vmul.f32 $1.442695020e+00, v20;
	(erf) = vpow2.f32 v15  }
0x14b: {  	v9 =	vld.idx.msk [tilespmem:v9+s23+$0x0], $0xffff;
	v32 =	vor.u32 s9, v0;
	v21 =	vadd.f32 v25, v54;
	v60 =	vmul.f32 $2.000000030e-01, v16  }
0x14c: {  	[tilespmem:s28+$0xA0] =	vst v13;
	v13 =	vld [tilespmem:s26+$0xFFFFFE30];
	v62 =	vadd.f32 v58, v56;
	v24 =	vmul.f32 $2.000000030e-01, v19;
	(erf) = vpow2.f32 v20  }
0x14d: {  	s0 =	sadd.s32 $0x400, s28;
	v7 =	vld.idx.msk [tilespmem:v7+s23+$0x0], $0xffff;
	v17 =	vadd.f32 v17, v59;
	v61 =	vmul.f32 $2.000000030e-01, v21;
	v16 =	vmax.f32 v16, v60  }
0x14e: {  	[tilespmem:s28+$0x120] =	vst v14;
	v14 =	vld [tilespmem:s26+$0xFFFFFEB0];
	v29 =	vmul.f32 $2.000000030e-01, v62;
	v28 =	vmax.f32 v19, v24;
	v16 =	vmul.f32 $1.442695020e+00, v16;
	v33 =	vpop (erf)  }
0x14f: {  	v8 =	vld.idx.msk [tilespmem:v8+s23+$0x0], $0xffff;
	v31 =	vmul.f32 $2.000000030e-01, v17;
	v30 =	vmax.f32 v21, v61;
	v19 =	vmul.f32 $1.442695020e+00, v28;
	[tilespmem:s0+$0x1C0] =	vst v33  }
0x150: {  	v34 =	vmul.f32 $1.442695020e+00, v30;
	v15 =	vmax.f32 v62, v29;
	(erf) = vpow2.f32 v16;
	v18 =	vld.idx.msk [tilespmem:v63+s23+$0x0], $0xffff  }
0x151: {  	s11 =	sadd.s32 $0x100, s30;
	v35 =	vmax.f32 v17, v31;
	v15 =	vmul.f32 $1.442695020e+00, v15;
	(erf) = vpow2.f32 v19;
	v36 =	vld [tilespmem:s29+$0x180]  }
0x152: {  	v37 =	vor.u32 s11, v0;
	v17 =	vld [tilespmem:s26+$0xFFFFFF30];
	v16 =	vmul.f32 $1.442695020e+00, v35;
	(erf) = vpow2.f32 v34  }
0x153: {  	v38 =	vpop (erf);
	(erf) = vpow2.f32 v15;
	v15 =	vld [tilespmem:s26+$0xFFFFFFB0]  }
0x154: {  	v39 =	vor.u32 s14, v1;
	[tilespmem:s0+$0xFFFFFEC0] =	vst v38;
	(erf) = vpow2.f32 v16;
	v16 =	vld [tilespmem:s26+$0x30]  }
0x155: {  	s13 =	sadd.s32 $0x180, s30;
	v40 =	vpop (erf);
	v22 =	vld.idx.msk [tilespmem:v32+s23+$0x0], $0xffff  }
0x156: {  	v41 =	vor.u32 s13, v0;
	v42 =	vld [tilespmem:s29+$0xFFFFFE80];
	[tilespmem:s0+$0xFFFFFF40] =	vst v40;
	v18 =	vmul.f32 v36, v18  }
0x157: {  	s16 =	sadd.s32 $0x200, s30;
	v20 =	vld.idx.msk [tilespmem:v37+s23+$0x0], $0xffff  }
0x158: {  	v43 =	vor.u32 s16, v0;
	v45 =	vld [tilespmem:s29+$0xFFFFFF00];
	[tilespmem:s0+$0x180] =	vst v18  }
0x159: {  	v46 =	vpop (erf);
	v21 =	vld.idx.msk [tilespmem:v39+s23+$0x0], $0xffff  }
0x15a: {  	s4 =	sadd.s32 $0x280, s30;
	[tilespmem:s0+$0xFFFFFFC0] =	vst v46;
	v47 =	vld [tilespmem:s29+$0x190]  }
0x15b: {  	v44 =	vor.u32 s4, v0;
	v28 =	vpop (erf);
	v24 =	vld.idx.msk [tilespmem:v41+s23+$0x0], $0xffff  }
0x15c: {  	v22 =	vmul.f32 v42, v22;
	[tilespmem:s0+$0x40] =	vst v28;
	v52 =	vld [tilespmem:s29+$0xFFFFFF80]  }
0x15d: {  	v33 =	vor.u32 s11, v1;
	v19 =	vld.idx.msk [tilespmem:v43+s23+$0x0], $0xffff  }
0x15e: {  	s12 =	sadd.s32 $0x300, s30;
	v30 =	vpop (erf);
	[tilespmem:s0+$0xFFFFFE80] =	vst v22;
	v54 =	vld [tilespmem:s29+$0x0]  }
0x15f: {  	v29 =	vor.u32 s12, v0;
	v20 =	vmul.f32 v45, v20;
	[tilespmem:s0+$0xC0] =	vst v30;
	v43 =	vld [tilespmem:s29+$0xFFFFFE90]  }
0x160: {  	v23 =	vld.idx.msk [tilespmem:v44+s23+$0x0], $0xffff  }
0x161: {  	v27 =	vor.u32 s30, v0;
	[tilespmem:s0+$0xFFFFFF00] =	vst v20;
	v55 =	vld [tilespmem:s29+$0x80]  }
0x162: {  	v48 =	vpop (erf);
	v61 =	vld.idx.msk [tilespmem:v33+s23+$0x0], $0xffff  }
0x163: {  	v53 =	vor.u32 s9, v1;
	[tilespmem:s0+$0x140] =	vst v48;
	v44 =	vld [tilespmem:s29+$0xFFFFFF10]  }
0x164: {  	v50 =	vor.u32 s14, v2;
	v49 =	vpop (erf);
	v28 =	vld.idx.msk [tilespmem:v29+s23+$0x0], $0xffff  }
0x165: {  	[tilespmem:s0+$0xFFFFFE40] =	vst v49;
	v56 =	vld [tilespmem:s29+$0x100]  }
0x166: {  	v27 =	vld.idx.msk [tilespmem:v27+s23+$0x0], $0xffff;
	v18 =	vmul.f32 v47, v21  }
0x167: {  	v34 =	vor.u32 s13, v1;
	v51 =	vld [tilespmem:s29+$0xFFFFFE00]  }
0x168: {  	[tilespmem:s0+$0x190] =	vst v18;
	v18 =	vld.idx.msk [tilespmem:v53+s23+$0x0], $0xffff  }
0x169: {  	v24 =	vmul.f32 v52, v24;
	v30 =	vld.idx.msk [tilespmem:v50+s23+$0x0], $0xffff  }
0x16a: {  	v60 =	vor.u32 s4, v1;
	v32 =	vld [tilespmem:s29+$0x1A0]  }
0x16b: {  	v19 =	vmul.f32 v54, v19;
	[tilespmem:s0+$0xFFFFFF80] =	vst v24;
	v24 =	vld [tilespmem:s26+$0xB0]  }
0x16c: {  	v23 =	vmul.f32 v55, v23;
	v63 =	vld.idx.msk [tilespmem:v34+s23+$0x0], $0xffff  }
0x16d: {  	v57 =	vor.u32 s16, v1;
	[tilespmem:s0+$0x0] =	vst v19;
	v46 =	vld [tilespmem:s29+$0xFFFFFF90]  }
0x16e: {  	v62 =	vor.u32 s12, v1;
	v53 =	vmul.f32 v44, v61;
	[tilespmem:s0+$0x80] =	vst v23;
	v48 =	vld [tilespmem:s29+$0x10]  }
0x16f: {  	v39 =	vmul.f32 v56, v28;
	v40 =	vld.idx.msk [tilespmem:v60+s23+$0x0], $0xffff  }
0x170: {  	v31 =	vor.u32 s30, v1;
	v21 =	vmul.f32 v51, v27;
	[tilespmem:s0+$0xFFFFFF10] =	vst v53;
	v50 =	vld [tilespmem:s29+$0x90]  }
0x171: {  	[tilespmem:s0+$0x100] =	vst v39;
	v38 =	vld [tilespmem:s29+$0xFFFFFF20]  }
0x172: {  	v47 =	vor.u32 s9, v2;
	[tilespmem:s0+$0xFFFFFE00] =	vst v21;
	v21 =	vld.idx.msk [tilespmem:v57+s23+$0x0], $0xffff  }
0x173: {  	v49 =	vor.u32 s11, v2;
	v41 =	vld.idx.msk [tilespmem:v62+s23+$0x0], $0xffff  }
0x174: {  	v18 =	vmul.f32 v43, v18;
	v52 =	vld [tilespmem:s29+$0x110]  }
0x175: {  	v58 =	vld.idx.msk [tilespmem:v31+s23+$0x0], $0xffff  }
0x176: {  	v35 =	vor.u32 s14, v3;
	v59 =	vmul.f32 v32, v30;
	v42 =	vld [tilespmem:s29+$0xFFFFFE10];
	[tilespmem:s0+$0xFFFFFE90] =	vst v18  }
0x177: {  	v57 =	vld.idx.msk [tilespmem:v47+s23+$0x0], $0xffff  }
0x178: {  	v51 =	vor.u32 s13, v2;
	[tilespmem:s0+$0x1A0] =	vst v59;
	v59 =	vld.idx.msk [tilespmem:v49+s23+$0x0], $0xffff  }
0x179: {  	v37 =	vld [tilespmem:s29+$0xFFFFFEA0]  }
0x17a: {  	v54 =	vor.u32 s4, v2;
	v55 =	vmul.f32 v46, v63;
	v47 =	vld [tilespmem:s26+$0x130]  }
0x17b: {  	v26 =	vld.idx.msk [tilespmem:v35+s23+$0x0], $0xffff  }
0x17c: {  	v56 =	vor.u32 s12, v2;
	v22 =	vld [tilespmem:s29+$0x1B0];
	[tilespmem:s0+$0xFFFFFF90] =	vst v55;
	v60 =	vmul.f32 v50, v40  }
0x17d: {  	v45 =	vor.u32 s30, v2;
	v61 =	vld.idx.msk [tilespmem:v51+s23+$0x0], $0xffff  }
0x17e: {  	v36 =	vor.u32 s16, v2;
	v62 =	vmul.f32 v52, v41;
	v40 =	vld [tilespmem:s29+$0xFFFFFFA0];
	[tilespmem:s0+$0x90] =	vst v60  }
0x17f: {  	v20 =	vmul.f32 v42, v58;
	v18 =	vld.idx.msk [tilespmem:v54+s23+$0x0], $0xffff  }
0x180: {  	v58 =	vmul.f32 v48, v21;
	[tilespmem:s0+$0x110] =	vst v62;
	v44 =	vld [tilespmem:s29+$0xA0]  }
0x181: {  	[tilespmem:s0+$0xFFFFFE10] =	vst v20;
	v20 =	vld.idx.msk [tilespmem:v56+s23+$0x0], $0xffff  }
0x182: {  	v41 =	vor.u32 s9, v3;
	[tilespmem:s0+$0x10] =	vst v58;
	v30 =	vld.idx.msk [tilespmem:v45+s23+$0x0], $0xffff  }
0x183: {  	v4 =	vmul.f32 v12, v4;
	v43 =	vor.u32 s11, v3;
	v63 =	vld.idx.msk [tilespmem:v36+s23+$0x0], $0xffff  }
0x184: {  	v27 =	vmul.f32 v37, v57;
	v36 =	vld [tilespmem:s29+$0xFFFFFE20]  }
0x185: {  	[tilespmem:s25+$0x130] =	vst v4;
	v21 =	vmul.f32 v38, v59;
	v42 =	vld [tilespmem:s29+$0x20]  }
0x186: {  	v4 =	vor.u32 s13, v3;
	v6 =	vmul.f32 v13, v6;
	v45 =	vld [tilespmem:s29+$0x120];
	[tilespmem:s0+$0xFFFFFEA0] =	vst v27  }
0x187: {  	v5 =	vmul.f32 v14, v5;
	[tilespmem:s0+$0xFFFFFF20] =	vst v21;
	v12 =	vld.idx.msk [tilespmem:v41+s23+$0x0], $0xffff  }
0x188: {  	[tilespmem:s28+$0xFFFFFE30] =	vst v6;
	v48 =	vor.u32 s4, v3;
	v19 =	vmul.f32 v40, v61;
	v51 =	vld.idx.msk [tilespmem:v43+s23+$0x0], $0xffff  }
0x189: {  	[tilespmem:s28+$0xFFFFFEB0] =	vst v5;
	v11 =	vmul.f32 v17, v11;
	v55 =	vld [tilespmem:s29+$0xFFFFFEB0]  }
0x18a: {  	v39 =	vor.u32 s30, v3;
	v57 =	vld [tilespmem:s29+$0xFFFFFF30];
	[tilespmem:s0+$0xFFFFFFA0] =	vst v19;
	v18 =	vmul.f32 v44, v18  }
0x18b: {  	[tilespmem:s28+$0xFFFFFF30] =	vst v11;
	v10 =	vmul.f32 v15, v10;
	v4 =	vld.idx.msk [tilespmem:v4+s23+$0x0], $0xffff  }
0x18c: {  	v46 =	vor.u32 s16, v3;
	v58 =	vld [tilespmem:s29+$0xFFFFFFB0];
	v25 =	vmul.f32 v36, v30;
	[tilespmem:s0+$0xA0] =	vst v18  }
0x18d: {  	v9 =	vmul.f32 v16, v9;
	[tilespmem:s28+$0xFFFFFFB0] =	vst v10;
	v53 =	vld.idx.msk [tilespmem:v48+s23+$0x0], $0xffff  }
0x18e: {  	v49 =	vor.u32 s12, v3;
	v50 =	vmul.f32 v42, v63;
	v60 =	vld [tilespmem:s29+$0xB0];
	[tilespmem:s0+$0xFFFFFE20] =	vst v25  }
0x18f: {  	[tilespmem:s28+$0x30] =	vst v9;
	v7 =	vmul.f32 v24, v7;
	v29 =	vld.idx.msk [tilespmem:v39+s23+$0x0], $0xffff  }
0x190: {  	v20 =	vmul.f32 v45, v20;
	[tilespmem:s0+$0x20] =	vst v50;
	v5 =	vld [tilespmem:s29+$0xFFFFFE30]  }
0x191: {  	[tilespmem:s28+$0xB0] =	vst v7;
	v8 =	vmul.f32 v47, v8;
	v52 =	vld.idx.msk [tilespmem:v46+s23+$0x0], $0xffff  }
0x192: {  	v56 =	vmul.f32 v22, v26;
	[tilespmem:s0+$0x120] =	vst v20;
	v59 =	vld [tilespmem:s29+$0x30]  }
0x193: {  	[tilespmem:s28+$0x130] =	vst v8;
	v61 =	vmul.f32 v55, v12;
	v54 =	vld.idx.msk [tilespmem:v49+s23+$0x0], $0xffff  }
0x194: {  	[tilespmem:s0+$0x1B0] =	vst v56;
	v63 =	vmul.f32 v57, v51;
	v62 =	vld [tilespmem:s29+$0x130]  }
0x195: {  	[tilespmem:s0+$0xFFFFFEB0] =	vst v61;
	v5 =	vmul.f32 v5, v29  }
0x196: {  	v4 =	vmul.f32 v58, v4;
	[tilespmem:s0+$0xFFFFFF30] =	vst v63  }
0x197: {  	[tilespmem:s0+$0xFFFFFE30] =	vst v5;
	v5 =	vmul.f32 v59, v52  }
0x198: {  	[tilespmem:s0+$0xFFFFFFB0] =	vst v4;
	v4 =	vmul.f32 v60, v53  }
0x199: {  	[tilespmem:s0+$0x30] =	vst v5;
	v5 =	vmul.f32 v62, v54  }
0x19a: {  	[tilespmem:s0+$0xB0] =	vst v4  }
.Ltmp6:
0x19b: {  	[tilespmem:s0+$0x130] =	vst v5;
	(pc) =	sbr.rel .LBB2_6-.Ltmp6, $4  }
0x19c: {  	[spmem:s2] =	stream.indirect.scatter.add.f32 [tilespmem:s23], [sflag:$0x3], $0x50, s18, s18, $0xb8;
	[tilespmem:$0x18450] =	vst v63  }
0x19d: {  	_ =	swait.ge [sflag:s15], $0x2800  }
0x19e: {  	[sflag:s15] =	ssyncset.done $0x0  }
0x19f: {  	[sflag:s15] =	ssyncadd.s32 $0xFFFFD800  }
.LBB2_8:
0x1a0: {  	_ =	sfence.sel $0x180000  }
0x1a1: {  	[bflag:$0x0] =	sbarrier.arrive $0xFFFF  }
0x1a2: {  	_ =	strace $0x90000047  }
0x1a3: {  	[bflag:$0x2] =	sbarrier.arrive $0xFFFF  }
0x1a4: {  	s0 =	rddreg [dreg:$0x3]  }
0x1a5: {  	s0 =	sadd.s32 @!p0 $0x100000, s0  }
0x1a6: {  	[sflag:s0] =	ssyncadd.tile.s32 @!p0 $0x1;
	_ =	shalt  }
.Lfunc_end2:
_tile_overlayer_lowered:
.L_overlay_start_2:
0x1a7: {  	(tag) =	ssettag $0x2  }
0x1a8: {  	s0 =	rddreg [dreg:$0x0];
	s2 =	stileid.u32  }
0x1a9: {  	s1 =	rddreg [dreg:$0x1];
	p0 =	sne.s32 s2, $0x0  }
0x1aa: {  	s3 =	rddreg [dreg:$0x2];
	[bflag:$0x3] =	sbarrier.arrive $0xFFFF;
	s2 =	simm.s32 @!p0 $0x1C03  }
0x1ab: {  	[timem:s3], [sflag:s2] =	dma.local @!p0 [hbm:s0], s1  }
0x1ac: {  	s0 =	simm.s32 @!p0 $0x3  }
0x1ad: {  	_ =	swait.ge @!p0 [sflag:s0], s1  }
0x1ae: {  	s1 =	ssub.s32 @!p0 $0x0, s1;
	[sflag:s0] =	ssyncset.done @!p0 $0x0  }
0x1af: {  	[sflag:s0] =	ssyncadd.s32 @!p0 s1  }
0x1b0: {  	[bflag:$0x3] =	sbarrier.arrive $0xFFFF  }
0x1b1: {  	_ =	shalt  }

</sc_bundles>
